<compile_context>
chip_gen: v7x
topology: tpu7x:2x2x1
jax: 0.10.2.dev20260603
libtpu: 0.0.44.dev20260713+nightly
codegen_flags: <defaults>
</compile_context>

<pallas_src>
import functools

import jax
import jax.numpy as jnp
import numpy as np
from jax import lax
from jax.experimental import pallas as pl
from jax.experimental.pallas import tpu as pltpu
from jax.experimental.pallas import tpu_sc as plsc

RADII = (0.1, 0.3, 0.5)
KNN = 32
_B, _N = 8, 1024
_INV_SQRT_BN = 1.0 / (1.0 + 1e-3) ** 0.5

_NC, _NS = 2, 16
_NW = _NC * _NS
_RPW = (_B * _N) // _NW
_GRP = 16
_NGRP = _RPW // _GRP


def _sqrt_le_threshold(r: float) -> float:
    r32 = np.float32(r)
    z = np.float32(r32 * r32)
    while np.sqrt(np.float32(np.nextafter(z, np.float32(np.inf)))) <= r32:
        z = np.float32(np.nextafter(z, np.float32(np.inf)))
    while np.sqrt(z) > r32:
        z = np.float32(np.nextafter(z, np.float32(-np.inf)))
    return float(z)


def _threefry2x32(k0, k1, x0, x1):
    rot = ((13, 15, 26, 6), (17, 29, 16, 24))
    ks = (np.uint32(k0), np.uint32(k1),
          np.uint32(k0) ^ np.uint32(k1) ^ np.uint32(0x1BD11BDA))
    x0 = (x0 + ks[0]).astype(np.uint32)
    x1 = (x1 + ks[1]).astype(np.uint32)

    def rotl(v, d):
        return ((v << np.uint32(d)) | (v >> np.uint32(32 - d))).astype(np.uint32)

    for i in range(5):
        for r in rot[i % 2]:
            x0 = (x0 + x1).astype(np.uint32)
            x1 = rotl(x1, r)
            x1 = x1 ^ x0
        x0 = (x0 + ks[(i + 1) % 3]).astype(np.uint32)
        x1 = (x1 + ks[(i + 2) % 3] + np.uint32(i + 1)).astype(np.uint32)
    return x0, x1


def _uniform_key42(shape):
    size = int(np.prod(shape))
    counts = np.arange(size, dtype=np.uint64)
    h0 = (counts >> np.uint64(32)).astype(np.uint32)
    h1 = (counts & np.uint64(0xFFFFFFFF)).astype(np.uint32)
    o0, o1 = _threefry2x32(0, 42, h0, h1)
    bits = o0 ^ o1
    floats = ((bits >> np.uint32(9)) | np.uint32(0x3F800000)).view(np.float32)
    return (floats - np.float32(1.0)).reshape(shape)


def _build_noise_tables():
    n = _uniform_key42((_B, _N, _N))
    perm = np.argsort(-n, axis=-1, kind="stable").astype(np.int32)
    prank = np.empty_like(perm)
    np.put_along_axis(prank, perm,
                      np.broadcast_to(np.arange(_N, dtype=np.int32), perm.shape),
                      axis=-1)
    nz = (_N - (n == 0.0).sum(axis=-1)).astype(np.int32)
    zx = np.full((_B, _N), -1, dtype=np.int32)
    zb, zi, zj = np.nonzero(n == 0.0)
    zx[zb, zi] = zj
    perm = perm.reshape(_B * _N // _GRP, _GRP * _N)
    prank = prank.reshape(_B * _N // _GRP, _GRP * _N)
    return perm, prank, nz.reshape(-1), zx.reshape(-1)


_PERM, _PRANK, _NZ, _ZX = _build_noise_tables()
_T2 = tuple(_sqrt_le_threshold(r) for r in RADII)



def _tnet_body(x_ref, tW1_ref, tb1_ref, tg1_ref, tB1_ref, tW2_ref, tb2_ref,
               tg2_ref, tB2_ref, tW3_ref, tb3_ref, pct_ref):
    scale = jnp.float32(_INV_SQRT_BN)
    x = x_ref[0]
    h = jnp.dot(x, tW1_ref[...], preferred_element_type=jnp.float32) + tb1_ref[...]
    h = jax.nn.relu(tg1_ref[...] * h * scale + tB1_ref[...])
    m = jnp.max(h, axis=0, keepdims=True)
    h2 = jnp.dot(m, tW2_ref[...], preferred_element_type=jnp.float32) + tb2_ref[...]
    h2 = jax.nn.relu(tg2_ref[...] * h2 * scale + tB2_ref[...])
    t = jnp.dot(h2, tW3_ref[...], preferred_element_type=jnp.float32) + tb3_ref[...]
    T = jnp.concatenate([t[:, 0:3], t[:, 3:6], t[:, 6:9]], axis=0)
    pct = jnp.dot(x, T, preferred_element_type=jnp.float32)
    pct_ref[0] = pct


def _tnet(inputs, tW1, tb1, tg1, tB1, tW2, tb2, tg2, tB2, tW3, tb3):
    row = lambda v: v.reshape(1, -1)
    args = (row(tb1), row(tg1), row(tB1), tW2, row(tb2), row(tg2), row(tB2),
            tW3, row(tb3))
    full = lambda a: pl.BlockSpec(a.shape, lambda b: (0,) * a.ndim)
    return pl.pallas_call(
        _tnet_body,
        grid=(_B,),
        in_specs=[pl.BlockSpec((1, _N, 3), lambda b: (b, 0, 0)), full(tW1)]
                 + [full(a) for a in args],
        out_specs=pl.BlockSpec((1, _N, 3), lambda b: (b, 0, 0)),
        out_shape=jax.ShapeDtypeStruct((_B, _N, 3), jnp.float32),
    )(inputs, tW1, *args)



def _sc_body(pct_hbm, perm_hbm, prank_hbm, nz_hbm, zx_hbm, out_hbm,
             px_v, py_v, pz_v, d2p_v, perm_v, prank_v, frow_v, nz_v, zx_v,
             buf0, buf1, cidx, cd2):
    wid = lax.axis_index("s") * _NC + lax.axis_index("c")
    base = wid * _RPW
    batch = base // _N
    pltpu.sync_copy(pct_hbm.at[3 * batch], px_v.at[pl.ds(0, _N)])
    pltpu.sync_copy(pct_hbm.at[3 * batch + 1], py_v.at[pl.ds(0, _N)])
    pltpu.sync_copy(pct_hbm.at[3 * batch + 2], pz_v.at[pl.ds(0, _N)])
    pltpu.sync_copy(nz_hbm.at[pl.ds(base, _RPW)], nz_v.at[pl.ds(0, _RPW)])
    pltpu.sync_copy(zx_hbm.at[pl.ds(base, _RPW)], zx_v.at[pl.ds(0, _RPW)])
    iota = lax.iota(jnp.int32, 16)
    t0, t1, t2 = (jnp.float32(t) for t in _T2)

    def count(m):
        return plsc.all_reduce_population_count(m)[0]

    def group(g, _):
        grp = wid * _NGRP + g
        pltpu.sync_copy(perm_hbm.at[grp], perm_v)
        pltpu.sync_copy(prank_hbm.at[grp], prank_v)

        def rowfn(j, _):
            local = lax.rem(base, _N) + g * _GRP + j
            qx = px_v[pl.ds(local, 16)][0]
            qy = py_v[pl.ds(local, 16)][0]
            qz = pz_v[pl.ds(local, 16)][0]
            nzc = nz_v[pl.ds(g * _GRP + j, 16)][0]
            zid = zx_v[pl.ds(g * _GRP + j, 16)][0]

            def d2chunk(k):
                sl = pl.ds(k * 16, 16)
                dx = px_v[sl] - qx
                dy = py_v[sl] - qy
                dz = pz_v[sl] - qz
                return dx * dx + dy * dy + dz * dz

            def sweep(k, _):
                pr = prank_v[pl.ds(j * _N + k * 16, 16)]
                plsc.store_scatter(d2p_v, [pr], d2chunk(k))
                return ()

            lax.fori_loop(0, _N // 16, sweep, (), unroll=4)

            def tier1(k, p):
                idxv = perm_v[pl.ds(j * _N + k * 16, 16)]
                d2 = d2p_v[pl.ds(k * 16, 16)]
                m2 = d2 <= t2
                plsc.store_compressed(cidx.at[pl.ds(p, 16)], idxv, mask=m2)
                plsc.store_compressed(cd2.at[pl.ds(p, 16)], d2, mask=m2)
                return p + count(m2)

            hits = lax.fori_loop(0, _N // 16 - 1, tier1, 0, unroll=2)
            lastv = perm_v[pl.ds(j * _N + _N - 16, 16)]
            lastd = d2p_v[pl.ds(_N - 16, 16)]
            m2 = (lastd <= t2) & ((_N - 16 + iota) < nzc)
            plsc.store_compressed(cidx.at[pl.ds(hits, 16)], lastv, mask=m2)
            plsc.store_compressed(cd2.at[pl.ds(hits, 16)], lastd, mask=m2)
            hits = hits + count(m2)

            def tier2(k, ptrs):
                p0, p1 = ptrs
                idxv = cidx[pl.ds(k * 16, 16)]
                d2 = cd2[pl.ds(k * 16, 16)]
                valid = (k * 16 + iota) < hits
                m0 = (d2 <= t0) & valid
                m1 = (d2 <= t1) & valid
                plsc.store_compressed(buf0.at[pl.ds(jnp.minimum(p0, KNN), 16)],
                                      idxv, mask=m0)
                plsc.store_compressed(buf1.at[pl.ds(jnp.minimum(p1, KNN), 16)],
                                      idxv, mask=m1)
                return (p0 + count(m0), p1 + count(m1))

            ptrs01 = lax.fori_loop(0, (hits + 15) // 16, tier2, (0, 0))
            ptrs = (ptrs01[0], ptrs01[1], hits)

            def fill(k, ptrs):
                p0, p1, p2 = ptrs
                col = k * 16 + iota
                d2 = d2chunk(k)
                zm = col == zid
                m0 = (d2 > t0) | zm
                m1 = (d2 > t1) | zm
                m2 = (d2 > t2) | zm
                plsc.store_compressed(buf0.at[pl.ds(jnp.minimum(p0, KNN), 16)],
                                      col, mask=m0)
                plsc.store_compressed(buf1.at[pl.ds(jnp.minimum(p1, KNN), 16)],
                                      col, mask=m1)
                plsc.store_compressed(cidx.at[pl.ds(jnp.minimum(p2, KNN), 16)],
                                      col, mask=m2)
                return (p0 + count(m0), p1 + count(m1), p2 + count(m2))

            lax.fori_loop(0, 4, fill, ptrs, unroll=2)

            fbase = j * (3 * KNN * 3)
            for r, buf in enumerate((buf0, buf1, cidx)):
                for hh in range(KNN // 16):
                    idxv = buf[pl.ds(16 * hh, 16)]
                    posv = fbase + 9 * (iota + 16 * hh) + 3 * r
                    for cc, pv in enumerate((px_v, py_v, pz_v)):
                        val = plsc.load_gather(pv, [idxv])
                        plsc.store_scatter(frow_v, [posv + cc], val)
            return ()

        lax.fori_loop(0, _GRP, rowfn, ())
        pltpu.sync_copy(frow_v, out_hbm.at[grp])
        return ()

    lax.fori_loop(0, _NGRP, group, ())


def _sc_select_gather(pct_flat):
    mesh = plsc.VectorSubcoreMesh(core_axis_name="c", subcore_axis_name="s",
                                  num_cores=_NC, num_subcores=_NS)
    fn = pl.kernel(
        _sc_body,
        out_type=jax.ShapeDtypeStruct((_B * _N // _GRP, _GRP * 3 * KNN * 3),
                                      jnp.float32),
        mesh=mesh,
        compiler_params=pltpu.CompilerParams(needs_layout_passes=False),
        scratch_types=[
            pltpu.VMEM((_N + 16,), jnp.float32),
            pltpu.VMEM((_N + 16,), jnp.float32),
            pltpu.VMEM((_N + 16,), jnp.float32),
            pltpu.VMEM((_N + 16,), jnp.float32),
            pltpu.VMEM((_GRP * _N,), jnp.int32),
            pltpu.VMEM((_GRP * _N,), jnp.int32),
            pltpu.VMEM((_GRP * 3 * KNN * 3,), jnp.float32),
            pltpu.VMEM((_RPW + 16,), jnp.int32),
            pltpu.VMEM((_RPW + 16,), jnp.int32),
            pltpu.VMEM((64,), jnp.int32),
            pltpu.VMEM((64,), jnp.int32),
            pltpu.VMEM((_N + 16,), jnp.int32),
            pltpu.VMEM((_N + 16,), jnp.float32),
        ],
    )
    return fn(pct_flat, jnp.asarray(_PERM), jnp.asarray(_PRANK),
              jnp.asarray(_NZ), jnp.asarray(_ZX))



def _stack_body(feats_ref, Wc1_ref, bc1_ref, g1_ref, B1_ref, Wres_ref, bres_ref,
                Wk1_ref, bk1_ref, gk1_ref, Bk1_ref, Wk2_ref, bk2_ref, gk2_ref, Bk2_ref,
                Wk3_ref, bk3_ref, gk3_ref, Bk3_ref, out_ref):
    b = pl.program_id(0)
    nb = pl.program_id(1)
    f = feats_ref[0]
    scale = jnp.float32(_INV_SQRT_BN)

    def dense_bn_relu(x, W, bias, g, B):
        h = jnp.dot(x, W[...], preferred_element_type=jnp.float32) + bias[...]
        return jax.nn.relu(g[...] * h * scale + B[...])

    f = dense_bn_relu(f, Wc1_ref, bc1_ref, g1_ref, B1_ref)
    f = f + jnp.dot(f, Wres_ref[...], preferred_element_type=jnp.float32) + bres_ref[...]
    f = dense_bn_relu(f, Wk1_ref, bk1_ref, gk1_ref, Bk1_ref)
    f = dense_bn_relu(f, Wk2_ref, bk2_ref, gk2_ref, Bk2_ref)
    f = dense_bn_relu(f, Wk3_ref, bk3_ref, gk3_ref, Bk3_ref)
    bmax = jnp.max(f, axis=0, keepdims=True)

    @pl.when(nb == 0)
    def _():
        out_ref[pl.ds(b, 1), :] = bmax

    @pl.when(nb != 0)
    def _():
        out_ref[pl.ds(b, 1), :] = jnp.maximum(out_ref[pl.ds(b, 1), :], bmax)


def _dense_stack(feats, Wc1, bc1, g1, B1, Wres, bres,
                 Wk1, bk1, gk1, Bk1, Wk2, bk2, gk2, Bk2, Wk3, bk3, gk3, Bk3):
    B, N, F = feats.shape
    RB = 256
    grid = (B, N // RB)
    row = lambda v: v.reshape(1, -1)
    full = lambda a: pl.BlockSpec(a.shape, lambda b, n: (0,) * a.ndim)
    args = (Wc1, row(bc1), row(g1), row(B1), Wres, row(bres),
            Wk1, row(bk1), row(gk1), row(Bk1), Wk2, row(bk2), row(gk2), row(Bk2),
            Wk3, row(bk3), row(gk3), row(Bk3))
    return pl.pallas_call(
        _stack_body,
        grid=grid,
        in_specs=[pl.BlockSpec((1, RB, F), lambda b, n: (b, n, 0))] + [full(a) for a in args],
        out_specs=pl.BlockSpec((B, 170), lambda b, n: (0, 0)),
        out_shape=jax.ShapeDtypeStruct((B, 170), jnp.float32),
    )(feats, *args)


def kernel(inputs, tW1, tb1, tg1, tB1, tW2, tb2, tg2, tB2, tW3, tb3,
           Wc1, bc1, g1, B1, Wres, bres,
           Wk1, bk1, gk1, Bk1, Wk2, bk2, gk2, Bk2, Wk3, bk3, gk3, Bk3):
    pct = _tnet(inputs, tW1, tb1, tg1, tB1, tW2, tb2, tg2, tB2, tW3, tb3)
    pct_soa = jnp.transpose(pct, (0, 2, 1)).reshape(3 * _B, _N)
    feats = _sc_select_gather(pct_soa)
    feats = feats.reshape(_B, _N, 3 * KNN * 3)
    return _dense_stack(feats, Wc1, bc1, g1, B1, Wres, bres,
                        Wk1, bk1, gk1, Bk1, Wk2, bk2, gk2, Bk2, Wk3, bk3, gk3, Bk3)

# --- scband reference (transcript-rebuilt; emitter-appended) ---
"""Pipeline reference for scband-point-cloud-extractor-44564580663678 (READ-ONLY COPY).

The authoritative reference and input builder live on the scoring server;
editing this copy changes nothing except your own understanding.
"""

import jax, jax.numpy as jnp
import numpy as np

RADII = (0.1, 0.3, 0.5)
KNN = 32

PARAM_ORDER = ["inputs","tW1","tb1","tg1","tB1","tW2","tb2","tg2","tB2","tW3","tb3","Wc1","bc1","g1","B1","Wres","bres","Wk1","bk1","gk1","Bk1","Wk2","bk2","gk2","Bk2","Wk3","bk3","gk3","Bk3"]


def _bn(x, g, b):
    # inference-mode BatchNorm with fresh moving stats (mean=0, var=1), keras eps=1e-3
    return g * x / jnp.sqrt(1.0 + 1e-3) + b


def _forward(inputs, tW1, tb1, tg1, tB1, tW2, tb2, tg2, tB2, tW3, tb3,
             Wc1, bc1, g1, B1, Wres, bres,
             Wk1, bk1, gk1, Bk1, Wk2, bk2, gk2, Bk2, Wk3, bk3, gk3, Bk3):
    # ---- TNetLess ----
    h = jnp.matmul(inputs, tW1) + tb1            # Conv1D(k=1) == pointwise dense: [B,N,64]
    h = jax.nn.relu(_bn(h, tg1, tB1))
    h = jnp.max(h, axis=1)                        # GlobalMaxPooling1D -> [B,64]
    h = jax.nn.relu(_bn(jnp.matmul(h, tW2) + tb2, tg2, tB2))
    T = (jnp.matmul(h, tW3) + tb3).reshape(-1, 3, 3)
    # ---- transform + pairwise distances ----
    pct = jnp.matmul(inputs, T)                   # [B,N,3]
    diff = pct[:, :, None, :] - pct[:, None, :, :]
    # stop_gradient: dist only feeds a boolean mask (no grad in TF either); avoids sqrt(0) NaN in vjp
    dist = jnp.sqrt(jnp.sum(jax.lax.stop_gradient(diff) ** 2, axis=-1))  # [B,N,N]
    noise = jax.random.uniform(jax.random.key(42), dist.shape, dtype=jnp.float32)
    gathered = []
    for r in RADII:
        mask = (dist <= r).astype(jnp.float32)
        scores = mask * noise
        idx = jnp.argsort(-scores, axis=-1)[:, :, :KNN]     # [B,N,K] descending
        g = jax.vmap(lambda p, i: p[i])(pct, idx)            # tf.gather(..., axis=1, batch_dims=1) -> [B,N,K,3]
        gathered.append(g)
    feats = jnp.concatenate(gathered, axis=-1)               # [B,N,K,9]
    B = inputs.shape[0]; N = inputs.shape[1]
    feats = feats.reshape(B, N, 3 * KNN * 3)                 # [B,N,288]
    # ---- main conv stack (all Conv1D kernel-size 1) ----
    f = jax.nn.relu(_bn(jnp.matmul(feats, Wc1) + bc1, g1, B1))
    f = f + (jnp.matmul(f, Wres) + bres)                     # residual conv + add
    f = jax.nn.relu(_bn(jnp.matmul(f, Wk1) + bk1, gk1, Bk1))  # 512->512
    f = jax.nn.relu(_bn(jnp.matmul(f, Wk2) + bk2, gk2, Bk2))  # 512->256
    f = jax.nn.relu(_bn(jnp.matmul(f, Wk3) + bk3, gk3, Bk3))  # 256->170
    return jnp.max(f, axis=1)                                 # GlobalMaxPooling1D -> [B,170]


def setup_inputs(seed: int = 0) -> dict:
    key = jax.random.key(seed)
    ks = jax.random.split(key, 16)
    B, N = 8, 1024
    def w(k, s):
        return jax.random.normal(k, s, dtype=jnp.float32) * 0.05
    d = {}
    d["inputs"] = jax.random.normal(ks[0], (B, N, 3), dtype=jnp.float32)
    d["tW1"] = w(ks[1], (3, 64));    d["tb1"] = jnp.zeros((64,), jnp.float32)
    d["tg1"] = jnp.ones((64,), jnp.float32);  d["tB1"] = jnp.zeros((64,), jnp.float32)
    d["tW2"] = w(ks[2], (64, 64));   d["tb2"] = jnp.zeros((64,), jnp.float32)
    d["tg2"] = jnp.ones((64,), jnp.float32);  d["tB2"] = jnp.zeros((64,), jnp.float32)
    d["tW3"] = w(ks[3], (64, 9));    d["tb3"] = jnp.ones((9,), jnp.float32)  # bias_initializer='ones'
    d["Wc1"] = w(ks[4], (288, 512)); d["bc1"] = jnp.zeros((512,), jnp.float32)
    d["g1"] = jnp.ones((512,), jnp.float32);  d["B1"] = jnp.zeros((512,), jnp.float32)
    d["Wres"] = w(ks[5], (512, 512)); d["bres"] = jnp.zeros((512,), jnp.float32)
    d["Wk1"] = w(ks[6], (512, 512)); d["bk1"] = jnp.zeros((512,), jnp.float32)
    d["gk1"] = jnp.ones((512,), jnp.float32); d["Bk1"] = jnp.zeros((512,), jnp.float32)
    d["Wk2"] = w(ks[7], (512, 256)); d["bk2"] = jnp.zeros((256,), jnp.float32)
    d["gk2"] = jnp.ones((256,), jnp.float32); d["Bk2"] = jnp.zeros((256,), jnp.float32)
    d["Wk3"] = w(ks[8], (256, 170)); d["bk3"] = jnp.zeros((170,), jnp.float32)
    d["gk3"] = jnp.ones((170,), jnp.float32); d["Bk3"] = jnp.zeros((170,), jnp.float32)
    return d


def reference(inputs, tW1, tb1, tg1, tB1, tW2, tb2, tg2, tB2, tW3, tb3,
              Wc1, bc1, g1, B1, Wres, bres,
              Wk1, bk1, gk1, Bk1, Wk2, bk2, gk2, Bk2, Wk3, bk3, gk3, Bk3):
    return _forward(inputs, tW1, tb1, tg1, tB1, tW2, tb2, tg2, tB2, tW3, tb3,
                    Wc1, bc1, g1, B1, Wres, bres,
                    Wk1, bk1, gk1, Bk1, Wk2, bk2, gk2, Bk2, Wk3, bk3, gk3, Bk3)

if __name__ == "__main__":
    import jax
    _d = setup_inputs()
    print(jax.jit(kernel)(*tuple(_d.values())))

</pallas_src>

<mosaic_0001>
#map = affine_map<(d0, d1) -> (0, 0)>
#map1 = affine_map<(d0, d1) -> (0)>
module attributes {stable_mosaic.version = 14 : i64} {
  func.func @_sc_body(%arg0: i32, %arg1: i32, %arg2: memref<24x1024xf32, #tpu.memory_space<hbm>>, %arg3: memref<512x16384xi32, #tpu.memory_space<hbm>>, %arg4: memref<512x16384xi32, #tpu.memory_space<hbm>>, %arg5: memref<8192xi32, #tpu.memory_space<hbm>>, %arg6: memref<8192xi32, #tpu.memory_space<hbm>>, %arg7: memref<512x4608xf32, #tpu.memory_space<hbm>>, %arg8: memref<1040xf32, #tpu.memory_space<vmem>>, %arg9: memref<1040xf32, #tpu.memory_space<vmem>>, %arg10: memref<1040xf32, #tpu.memory_space<vmem>>, %arg11: memref<1040xf32, #tpu.memory_space<vmem>>, %arg12: memref<16384xi32, #tpu.memory_space<vmem>>, %arg13: memref<16384xi32, #tpu.memory_space<vmem>>, %arg14: memref<4608xf32, #tpu.memory_space<vmem>>, %arg15: memref<272xi32, #tpu.memory_space<vmem>>, %arg16: memref<272xi32, #tpu.memory_space<vmem>>, %arg17: memref<64xi32, #tpu.memory_space<vmem>>, %arg18: memref<64xi32, #tpu.memory_space<vmem>>, %arg19: memref<1040xi32, #tpu.memory_space<vmem>>, %arg20: memref<1040xf32, #tpu.memory_space<vmem>>) attributes {dimension_semantics = [#tpu.dimension_semantics<core_parallel>, #tpu.dimension_semantics<subcore_parallel>], iteration_bounds = array<i64: 2, 16>, scalar_prefetch = 0 : i64, scratch_operands = 13 : i64, tpu.core_type = #tpu.core_type<sc_vector_subcore>, window_params = [{transform_indices = #map}, {transform_indices = #map}, {transform_indices = #map}, {transform_indices = #map1}, {transform_indices = #map1}, {transform_indices = #map}]} {
    %mul3A = arith.constant 2 : i32
    %mul3A_0 = arith.muli %arg1, %mul3A : i32
    %add3A = arith.addi %mul3A_0, %arg0 : i32
    %mul3A_1 = arith.constant 256 : i32
    %mul3A_2 = arith.muli %add3A, %mul3A_1 : i32
    %jit3A = arith.constant 1024 : i32
    %div3A = arith.divsi %mul3A_2, %jit3A : i32
    %sign3A = arith.constant 0 : i32
    %sign3A_3 = arith.cmpi sgt, %mul3A_2, %sign3A : i32
    %sign3A_4 = arith.extui %sign3A_3 : i1 to i32
    %sign3A_5 = arith.constant 0 : i32
    %sign3A_6 = arith.cmpi slt, %mul3A_2, %sign3A_5 : i32
    %sign3A_7 = arith.extui %sign3A_6 : i1 to i32
    %sign3A_8 = arith.subi %sign3A_4, %sign3A_7 : i32
    %sign3A_9 = arith.constant 0 : i32
    %sign3A_10 = arith.cmpi sgt, %jit3A, %sign3A_9 : i32
    %sign3A_11 = arith.extui %sign3A_10 : i1 to i32
    %sign3A_12 = arith.constant 0 : i32
    %sign3A_13 = arith.cmpi slt, %jit3A, %sign3A_12 : i32
    %sign3A_14 = arith.extui %sign3A_13 : i1 to i32
    %sign3A_15 = arith.subi %sign3A_11, %sign3A_14 : i32
    %ne3A = arith.cmpi ne, %sign3A_8, %sign3A_15 : i32
    %rem3A = arith.remsi %mul3A_2, %jit3A : i32
    %ne3A_16 = arith.constant 0 : i32
    %ne3A_17 = arith.cmpi ne, %rem3A, %ne3A_16 : i32
    %and3A = arith.andi %ne3A, %ne3A_17 : i1
    %sub3A = arith.constant 1 : i32
    %sub3A_18 = arith.subi %div3A, %sub3A : i32
    %select_n3A = arith.select %and3A, %sub3A_18, %div3A : i32
    %mul3A_19 = arith.constant 3 : i32
    %mul3A_20 = arith.muli %mul3A_19, %select_n3A : i32
    "tpu.region"() ({
      %run_scoped3A = tpu.sem_alloc : memref<!tpu.dma_semaphore, #tpu.memory_space<semaphore_mem>>
      %dma_start3A = arith.constant 0 : i32
      %dma_start3A_36 = tpu.memref_slice %arg8[%dma_start3A] : memref<1040xf32, #tpu.memory_space<vmem>> -> memref<1024xf32, #tpu.memory_space<vmem>>
      %dma_start3A_37 = arith.constant 0 : i32
      %dma_start3A_38 = tpu.memref_slice %arg2[%mul3A_20, %dma_start3A_37] : memref<24x1024xf32, #tpu.memory_space<hbm>> -> memref<1x1024xf32, #tpu.memory_space<hbm>>
      %dma_start3A_39 = tpu.memref_squeeze %dma_start3A_38 : memref<1x1024xf32, #tpu.memory_space<hbm>> -> memref<1024xf32, #tpu.memory_space<hbm>>
      %dma_start3A_40 = arith.constant 0 : i32
      %dma_start3A_41 = tpu.memref_slice %arg8[%dma_start3A_40] : memref<1040xf32, #tpu.memory_space<vmem>> -> memref<1024xf32, #tpu.memory_space<vmem>>
      %dma_start3A_42 = arith.constant 0 : i32
      %dma_start3A_43 = tpu.memref_slice %arg2[%mul3A_20, %dma_start3A_42] : memref<24x1024xf32, #tpu.memory_space<hbm>> -> memref<1x1024xf32, #tpu.memory_space<hbm>>
      %dma_start3A_44 = tpu.memref_squeeze %dma_start3A_43 : memref<1x1024xf32, #tpu.memory_space<hbm>> -> memref<1024xf32, #tpu.memory_space<hbm>>
      tpu.enqueue_dma source(%dma_start3A_44 : memref<1024xf32, #tpu.memory_space<hbm>>) target(%dma_start3A_41 : memref<1024xf32, #tpu.memory_space<vmem>>) target_semaphore(%run_scoped3A : memref<!tpu.dma_semaphore, #tpu.memory_space<semaphore_mem>>)
      %dma_wait3A = arith.constant 0 : i32
      %dma_wait3A_45 = tpu.memref_slice %arg8[%dma_wait3A] : memref<1040xf32, #tpu.memory_space<vmem>> -> memref<1024xf32, #tpu.memory_space<vmem>>
      %dma_wait3A_46 = arith.constant 0 : i32
      %dma_wait3A_47 = tpu.memref_slice %arg2[%mul3A_20, %dma_wait3A_46] : memref<24x1024xf32, #tpu.memory_space<hbm>> -> memref<1x1024xf32, #tpu.memory_space<hbm>>
      %dma_wait3A_48 = tpu.memref_squeeze %dma_wait3A_47 : memref<1x1024xf32, #tpu.memory_space<hbm>> -> memref<1024xf32, #tpu.memory_space<hbm>>
      %dma_wait3A_49 = arith.constant 0 : i32
      %dma_wait3A_50 = tpu.memref_slice %arg8[%dma_wait3A_49] : memref<1040xf32, #tpu.memory_space<vmem>> -> memref<1024xf32, #tpu.memory_space<vmem>>
      %dma_wait3A_51 = arith.constant 0 : i32
      %dma_wait3A_52 = tpu.memref_slice %arg2[%mul3A_20, %dma_wait3A_51] : memref<24x1024xf32, #tpu.memory_space<hbm>> -> memref<1x1024xf32, #tpu.memory_space<hbm>>
      %dma_wait3A_53 = tpu.memref_squeeze %dma_wait3A_52 : memref<1x1024xf32, #tpu.memory_space<hbm>> -> memref<1024xf32, #tpu.memory_space<hbm>>
      tpu.wait_dma2 semaphore(%run_scoped3A : memref<!tpu.dma_semaphore, #tpu.memory_space<semaphore_mem>>) src(%dma_wait3A_53 : memref<1024xf32, #tpu.memory_space<hbm>>) dst(%dma_wait3A_50 : memref<1024xf32, #tpu.memory_space<vmem>>)
      tpu.yield
    }) : () -> ()
    %mul3A_21 = arith.constant 3 : i32
    %mul3A_22 = arith.muli %mul3A_21, %select_n3A : i32
    %add3A_23 = arith.constant 1 : i32
    %add3A_24 = arith.addi %mul3A_22, %add3A_23 : i32
    "tpu.region"() ({
      %run_scoped3A = tpu.sem_alloc : memref<!tpu.dma_semaphore, #tpu.memory_space<semaphore_mem>>
      %dma_start3A = arith.constant 0 : i32
      %dma_start3A_36 = tpu.memref_slice %arg9[%dma_start3A] : memref<1040xf32, #tpu.memory_space<vmem>> -> memref<1024xf32, #tpu.memory_space<vmem>>
      %dma_start3A_37 = arith.constant 0 : i32
      %dma_start3A_38 = tpu.memref_slice %arg2[%add3A_24, %dma_start3A_37] : memref<24x1024xf32, #tpu.memory_space<hbm>> -> memref<1x1024xf32, #tpu.memory_space<hbm>>
      %dma_start3A_39 = tpu.memref_squeeze %dma_start3A_38 : memref<1x1024xf32, #tpu.memory_space<hbm>> -> memref<1024xf32, #tpu.memory_space<hbm>>
      %dma_start3A_40 = arith.constant 0 : i32
      %dma_start3A_41 = tpu.memref_slice %arg9[%dma_start3A_40] : memref<1040xf32, #tpu.memory_space<vmem>> -> memref<1024xf32, #tpu.memory_space<vmem>>
      %dma_start3A_42 = arith.constant 0 : i32
      %dma_start3A_43 = tpu.memref_slice %arg2[%add3A_24, %dma_start3A_42] : memref<24x1024xf32, #tpu.memory_space<hbm>> -> memref<1x1024xf32, #tpu.memory_space<hbm>>
      %dma_start3A_44 = tpu.memref_squeeze %dma_start3A_43 : memref<1x1024xf32, #tpu.memory_space<hbm>> -> memref<1024xf32, #tpu.memory_space<hbm>>
      tpu.enqueue_dma source(%dma_start3A_44 : memref<1024xf32, #tpu.memory_space<hbm>>) target(%dma_start3A_41 : memref<1024xf32, #tpu.memory_space<vmem>>) target_semaphore(%run_scoped3A : memref<!tpu.dma_semaphore, #tpu.memory_space<semaphore_mem>>)
      %dma_wait3A = arith.constant 0 : i32
      %dma_wait3A_45 = tpu.memref_slice %arg9[%dma_wait3A] : memref<1040xf32, #tpu.memory_space<vmem>> -> memref<1024xf32, #tpu.memory_space<vmem>>
      %dma_wait3A_46 = arith.constant 0 : i32
      %dma_wait3A_47 = tpu.memref_slice %arg2[%add3A_24, %dma_wait3A_46] : memref<24x1024xf32, #tpu.memory_space<hbm>> -> memref<1x1024xf32, #tpu.memory_space<hbm>>
      %dma_wait3A_48 = tpu.memref_squeeze %dma_wait3A_47 : memref<1x1024xf32, #tpu.memory_space<hbm>> -> memref<1024xf32, #tpu.memory_space<hbm>>
      %dma_wait3A_49 = arith.constant 0 : i32
      %dma_wait3A_50 = tpu.memref_slice %arg9[%dma_wait3A_49] : memref<1040xf32, #tpu.memory_space<vmem>> -> memref<1024xf32, #tpu.memory_space<vmem>>
      %dma_wait3A_51 = arith.constant 0 : i32
      %dma_wait3A_52 = tpu.memref_slice %arg2[%add3A_24, %dma_wait3A_51] : memref<24x1024xf32, #tpu.memory_space<hbm>> -> memref<1x1024xf32, #tpu.memory_space<hbm>>
      %dma_wait3A_53 = tpu.memref_squeeze %dma_wait3A_52 : memref<1x1024xf32, #tpu.memory_space<hbm>> -> memref<1024xf32, #tpu.memory_space<hbm>>
      tpu.wait_dma2 semaphore(%run_scoped3A : memref<!tpu.dma_semaphore, #tpu.memory_space<semaphore_mem>>) src(%dma_wait3A_53 : memref<1024xf32, #tpu.memory_space<hbm>>) dst(%dma_wait3A_50 : memref<1024xf32, #tpu.memory_space<vmem>>)
      tpu.yield
    }) : () -> ()
    %mul3A_25 = arith.constant 3 : i32
    %mul3A_26 = arith.muli %mul3A_25, %select_n3A : i32
    %add3A_27 = arith.constant 2 : i32
    %add3A_28 = arith.addi %mul3A_26, %add3A_27 : i32
    "tpu.region"() ({
      %run_scoped3A = tpu.sem_alloc : memref<!tpu.dma_semaphore, #tpu.memory_space<semaphore_mem>>
      %dma_start3A = arith.constant 0 : i32
      %dma_start3A_36 = tpu.memref_slice %arg10[%dma_start3A] : memref<1040xf32, #tpu.memory_space<vmem>> -> memref<1024xf32, #tpu.memory_space<vmem>>
      %dma_start3A_37 = arith.constant 0 : i32
      %dma_start3A_38 = tpu.memref_slice %arg2[%add3A_28, %dma_start3A_37] : memref<24x1024xf32, #tpu.memory_space<hbm>> -> memref<1x1024xf32, #tpu.memory_space<hbm>>
      %dma_start3A_39 = tpu.memref_squeeze %dma_start3A_38 : memref<1x1024xf32, #tpu.memory_space<hbm>> -> memref<1024xf32, #tpu.memory_space<hbm>>
      %dma_start3A_40 = arith.constant 0 : i32
      %dma_start3A_41 = tpu.memref_slice %arg10[%dma_start3A_40] : memref<1040xf32, #tpu.memory_space<vmem>> -> memref<1024xf32, #tpu.memory_space<vmem>>
      %dma_start3A_42 = arith.constant 0 : i32
      %dma_start3A_43 = tpu.memref_slice %arg2[%add3A_28, %dma_start3A_42] : memref<24x1024xf32, #tpu.memory_space<hbm>> -> memref<1x1024xf32, #tpu.memory_space<hbm>>
      %dma_start3A_44 = tpu.memref_squeeze %dma_start3A_43 : memref<1x1024xf32, #tpu.memory_space<hbm>> -> memref<1024xf32, #tpu.memory_space<hbm>>
      tpu.enqueue_dma source(%dma_start3A_44 : memref<1024xf32, #tpu.memory_space<hbm>>) target(%dma_start3A_41 : memref<1024xf32, #tpu.memory_space<vmem>>) target_semaphore(%run_scoped3A : memref<!tpu.dma_semaphore, #tpu.memory_space<semaphore_mem>>)
      %dma_wait3A = arith.constant 0 : i32
      %dma_wait3A_45 = tpu.memref_slice %arg10[%dma_wait3A] : memref<1040xf32, #tpu.memory_space<vmem>> -> memref<1024xf32, #tpu.memory_space<vmem>>
      %dma_wait3A_46 = arith.constant 0 : i32
      %dma_wait3A_47 = tpu.memref_slice %arg2[%add3A_28, %dma_wait3A_46] : memref<24x1024xf32, #tpu.memory_space<hbm>> -> memref<1x1024xf32, #tpu.memory_space<hbm>>
      %dma_wait3A_48 = tpu.memref_squeeze %dma_wait3A_47 : memref<1x1024xf32, #tpu.memory_space<hbm>> -> memref<1024xf32, #tpu.memory_space<hbm>>
      %dma_wait3A_49 = arith.constant 0 : i32
      %dma_wait3A_50 = tpu.memref_slice %arg10[%dma_wait3A_49] : memref<1040xf32, #tpu.memory_space<vmem>> -> memref<1024xf32, #tpu.memory_space<vmem>>
      %dma_wait3A_51 = arith.constant 0 : i32
      %dma_wait3A_52 = tpu.memref_slice %arg2[%add3A_28, %dma_wait3A_51] : memref<24x1024xf32, #tpu.memory_space<hbm>> -> memref<1x1024xf32, #tpu.memory_space<hbm>>
      %dma_wait3A_53 = tpu.memref_squeeze %dma_wait3A_52 : memref<1x1024xf32, #tpu.memory_space<hbm>> -> memref<1024xf32, #tpu.memory_space<hbm>>
      tpu.wait_dma2 semaphore(%run_scoped3A : memref<!tpu.dma_semaphore, #tpu.memory_space<semaphore_mem>>) src(%dma_wait3A_53 : memref<1024xf32, #tpu.memory_space<hbm>>) dst(%dma_wait3A_50 : memref<1024xf32, #tpu.memory_space<vmem>>)
      tpu.yield
    }) : () -> ()
    "tpu.region"() ({
      %run_scoped3A = tpu.sem_alloc : memref<!tpu.dma_semaphore, #tpu.memory_space<semaphore_mem>>
      %dma_start3A = arith.constant 0 : i32
      %dma_start3A_36 = tpu.memref_slice %arg15[%dma_start3A] : memref<272xi32, #tpu.memory_space<vmem>> -> memref<256xi32, #tpu.memory_space<vmem>>
      %dma_start3A_37 = tpu.memref_slice %arg5[%mul3A_2] : memref<8192xi32, #tpu.memory_space<hbm>> -> memref<256xi32, #tpu.memory_space<hbm>>
      %dma_start3A_38 = arith.constant 0 : i32
      %dma_start3A_39 = tpu.memref_slice %arg15[%dma_start3A_38] : memref<272xi32, #tpu.memory_space<vmem>> -> memref<256xi32, #tpu.memory_space<vmem>>
      %dma_start3A_40 = tpu.memref_slice %arg5[%mul3A_2] : memref<8192xi32, #tpu.memory_space<hbm>> -> memref<256xi32, #tpu.memory_space<hbm>>
      tpu.enqueue_dma source(%dma_start3A_40 : memref<256xi32, #tpu.memory_space<hbm>>) target(%dma_start3A_39 : memref<256xi32, #tpu.memory_space<vmem>>) target_semaphore(%run_scoped3A : memref<!tpu.dma_semaphore, #tpu.memory_space<semaphore_mem>>)
      %dma_wait3A = arith.constant 0 : i32
      %dma_wait3A_41 = tpu.memref_slice %arg15[%dma_wait3A] : memref<272xi32, #tpu.memory_space<vmem>> -> memref<256xi32, #tpu.memory_space<vmem>>
      %dma_wait3A_42 = tpu.memref_slice %arg5[%mul3A_2] : memref<8192xi32, #tpu.memory_space<hbm>> -> memref<256xi32, #tpu.memory_space<hbm>>
      %dma_wait3A_43 = arith.constant 0 : i32
      %dma_wait3A_44 = tpu.memref_slice %arg15[%dma_wait3A_43] : memref<272xi32, #tpu.memory_space<vmem>> -> memref<256xi32, #tpu.memory_space<vmem>>
      %dma_wait3A_45 = tpu.memref_slice %arg5[%mul3A_2] : memref<8192xi32, #tpu.memory_space<hbm>> -> memref<256xi32, #tpu.memory_space<hbm>>
      tpu.wait_dma2 semaphore(%run_scoped3A : memref<!tpu.dma_semaphore, #tpu.memory_space<semaphore_mem>>) src(%dma_wait3A_45 : memref<256xi32, #tpu.memory_space<hbm>>) dst(%dma_wait3A_44 : memref<256xi32, #tpu.memory_space<vmem>>)
      tpu.yield
    }) : () -> ()
    "tpu.region"() ({
      %run_scoped3A = tpu.sem_alloc : memref<!tpu.dma_semaphore, #tpu.memory_space<semaphore_mem>>
      %dma_start3A = arith.constant 0 : i32
      %dma_start3A_36 = tpu.memref_slice %arg16[%dma_start3A] : memref<272xi32, #tpu.memory_space<vmem>> -> memref<256xi32, #tpu.memory_space<vmem>>
      %dma_start3A_37 = tpu.memref_slice %arg6[%mul3A_2] : memref<8192xi32, #tpu.memory_space<hbm>> -> memref<256xi32, #tpu.memory_space<hbm>>
      %dma_start3A_38 = arith.constant 0 : i32
      %dma_start3A_39 = tpu.memref_slice %arg16[%dma_start3A_38] : memref<272xi32, #tpu.memory_space<vmem>> -> memref<256xi32, #tpu.memory_space<vmem>>
      %dma_start3A_40 = tpu.memref_slice %arg6[%mul3A_2] : memref<8192xi32, #tpu.memory_space<hbm>> -> memref<256xi32, #tpu.memory_space<hbm>>
      tpu.enqueue_dma source(%dma_start3A_40 : memref<256xi32, #tpu.memory_space<hbm>>) target(%dma_start3A_39 : memref<256xi32, #tpu.memory_space<vmem>>) target_semaphore(%run_scoped3A : memref<!tpu.dma_semaphore, #tpu.memory_space<semaphore_mem>>)
      %dma_wait3A = arith.constant 0 : i32
      %dma_wait3A_41 = tpu.memref_slice %arg16[%dma_wait3A] : memref<272xi32, #tpu.memory_space<vmem>> -> memref<256xi32, #tpu.memory_space<vmem>>
      %dma_wait3A_42 = tpu.memref_slice %arg6[%mul3A_2] : memref<8192xi32, #tpu.memory_space<hbm>> -> memref<256xi32, #tpu.memory_space<hbm>>
      %dma_wait3A_43 = arith.constant 0 : i32
      %dma_wait3A_44 = tpu.memref_slice %arg16[%dma_wait3A_43] : memref<272xi32, #tpu.memory_space<vmem>> -> memref<256xi32, #tpu.memory_space<vmem>>
      %dma_wait3A_45 = tpu.memref_slice %arg6[%mul3A_2] : memref<8192xi32, #tpu.memory_space<hbm>> -> memref<256xi32, #tpu.memory_space<hbm>>
      tpu.wait_dma2 semaphore(%run_scoped3A : memref<!tpu.dma_semaphore, #tpu.memory_space<semaphore_mem>>) src(%dma_wait3A_45 : memref<256xi32, #tpu.memory_space<hbm>>) dst(%dma_wait3A_44 : memref<256xi32, #tpu.memory_space<vmem>>)
      tpu.yield
    }) : () -> ()
    %iota3A = tpu.iota {dimensions = array<i32: 0>} : vector<16xi32>
    %scan3A = arith.constant 0.25000003 : f32
    %scan3A_29 = arith.constant 0.0100000007 : f32
    %scan3A_30 = arith.constant 0.090000011 : f32
    %scan3A_31 = arith.constant 0 : i32
    %scan3A_32 = arith.constant 16 : i32
    %scan3A_33 = arith.addi %scan3A_31, %scan3A_32 : i32
    %scan3A_34 = arith.constant 1 : i32
    scf.for %scan3A_36 = %scan3A_31 to %scan3A_33 step %scan3A_34  : i32 {
      %mul3A_37 = arith.constant 16 : i32
      %mul3A_38 = arith.muli %add3A, %mul3A_37 : i32
      %add3A_39 = arith.addi %mul3A_38, %scan3A_36 : i32
      "tpu.region"() ({
        %run_scoped3A = tpu.sem_alloc : memref<!tpu.dma_semaphore, #tpu.memory_space<semaphore_mem>>
        %dma_start3A = arith.constant 0 : i32
        %dma_start3A_45 = tpu.memref_slice %arg3[%add3A_39, %dma_start3A] : memref<512x16384xi32, #tpu.memory_space<hbm>> -> memref<1x16384xi32, #tpu.memory_space<hbm>>
        %dma_start3A_46 = tpu.memref_squeeze %dma_start3A_45 : memref<1x16384xi32, #tpu.memory_space<hbm>> -> memref<16384xi32, #tpu.memory_space<hbm>>
        %dma_start3A_47 = arith.constant 0 : i32
        %dma_start3A_48 = tpu.memref_slice %arg3[%add3A_39, %dma_start3A_47] : memref<512x16384xi32, #tpu.memory_space<hbm>> -> memref<1x16384xi32, #tpu.memory_space<hbm>>
        %dma_start3A_49 = tpu.memref_squeeze %dma_start3A_48 : memref<1x16384xi32, #tpu.memory_space<hbm>> -> memref<16384xi32, #tpu.memory_space<hbm>>
        tpu.enqueue_dma source(%dma_start3A_49 : memref<16384xi32, #tpu.memory_space<hbm>>) target(%arg12 : memref<16384xi32, #tpu.memory_space<vmem>>) target_semaphore(%run_scoped3A : memref<!tpu.dma_semaphore, #tpu.memory_space<semaphore_mem>>)
        %dma_wait3A = arith.constant 0 : i32
        %dma_wait3A_50 = tpu.memref_slice %arg3[%add3A_39, %dma_wait3A] : memref<512x16384xi32, #tpu.memory_space<hbm>> -> memref<1x16384xi32, #tpu.memory_space<hbm>>
        %dma_wait3A_51 = tpu.memref_squeeze %dma_wait3A_50 : memref<1x16384xi32, #tpu.memory_space<hbm>> -> memref<16384xi32, #tpu.memory_space<hbm>>
        %dma_wait3A_52 = arith.constant 0 : i32
        %dma_wait3A_53 = tpu.memref_slice %arg3[%add3A_39, %dma_wait3A_52] : memref<512x16384xi32, #tpu.memory_space<hbm>> -> memref<1x16384xi32, #tpu.memory_space<hbm>>
        %dma_wait3A_54 = tpu.memref_squeeze %dma_wait3A_53 : memref<1x16384xi32, #tpu.memory_space<hbm>> -> memref<16384xi32, #tpu.memory_space<hbm>>
        tpu.wait_dma2 semaphore(%run_scoped3A : memref<!tpu.dma_semaphore, #tpu.memory_space<semaphore_mem>>) src(%dma_wait3A_54 : memref<16384xi32, #tpu.memory_space<hbm>>) dst(%arg12 : memref<16384xi32, #tpu.memory_space<vmem>>)
        tpu.yield
      }) : () -> ()
      "tpu.region"() ({
        %run_scoped3A = tpu.sem_alloc : memref<!tpu.dma_semaphore, #tpu.memory_space<semaphore_mem>>
        %dma_start3A = arith.constant 0 : i32
        %dma_start3A_45 = tpu.memref_slice %arg4[%add3A_39, %dma_start3A] : memref<512x16384xi32, #tpu.memory_space<hbm>> -> memref<1x16384xi32, #tpu.memory_space<hbm>>
        %dma_start3A_46 = tpu.memref_squeeze %dma_start3A_45 : memref<1x16384xi32, #tpu.memory_space<hbm>> -> memref<16384xi32, #tpu.memory_space<hbm>>
        %dma_start3A_47 = arith.constant 0 : i32
        %dma_start3A_48 = tpu.memref_slice %arg4[%add3A_39, %dma_start3A_47] : memref<512x16384xi32, #tpu.memory_space<hbm>> -> memref<1x16384xi32, #tpu.memory_space<hbm>>
        %dma_start3A_49 = tpu.memref_squeeze %dma_start3A_48 : memref<1x16384xi32, #tpu.memory_space<hbm>> -> memref<16384xi32, #tpu.memory_space<hbm>>
        tpu.enqueue_dma source(%dma_start3A_49 : memref<16384xi32, #tpu.memory_space<hbm>>) target(%arg13 : memref<16384xi32, #tpu.memory_space<vmem>>) target_semaphore(%run_scoped3A : memref<!tpu.dma_semaphore, #tpu.memory_space<semaphore_mem>>)
        %dma_wait3A = arith.constant 0 : i32
        %dma_wait3A_50 = tpu.memref_slice %arg4[%add3A_39, %dma_wait3A] : memref<512x16384xi32, #tpu.memory_space<hbm>> -> memref<1x16384xi32, #tpu.memory_space<hbm>>
        %dma_wait3A_51 = tpu.memref_squeeze %dma_wait3A_50 : memref<1x16384xi32, #tpu.memory_space<hbm>> -> memref<16384xi32, #tpu.memory_space<hbm>>
        %dma_wait3A_52 = arith.constant 0 : i32
        %dma_wait3A_53 = tpu.memref_slice %arg4[%add3A_39, %dma_wait3A_52] : memref<512x16384xi32, #tpu.memory_space<hbm>> -> memref<1x16384xi32, #tpu.memory_space<hbm>>
        %dma_wait3A_54 = tpu.memref_squeeze %dma_wait3A_53 : memref<1x16384xi32, #tpu.memory_space<hbm>> -> memref<16384xi32, #tpu.memory_space<hbm>>
        tpu.wait_dma2 semaphore(%run_scoped3A : memref<!tpu.dma_semaphore, #tpu.memory_space<semaphore_mem>>) src(%dma_wait3A_54 : memref<16384xi32, #tpu.memory_space<hbm>>) dst(%arg13 : memref<16384xi32, #tpu.memory_space<vmem>>)
        tpu.yield
      }) : () -> ()
      %scan3A_40 = arith.constant 0 : i32
      %scan3A_41 = arith.constant 16 : i32
      %scan3A_42 = arith.addi %scan3A_40, %scan3A_41 : i32
      %scan3A_43 = arith.constant 1 : i32
      scf.for %scan3A_45 = %scan3A_40 to %scan3A_42 step %scan3A_43  : i32 {
        %rem3A_46 = arith.constant 1024 : i32
        %rem3A_47 = arith.remsi %mul3A_2, %rem3A_46 : i32
        %mul3A_48 = arith.constant 16 : i32
        %mul3A_49 = arith.muli %scan3A_36, %mul3A_48 : i32
        %add3A_50 = arith.addi %rem3A_47, %mul3A_49 : i32
        %add3A_51 = arith.addi %add3A_50, %scan3A_45 : i32
        %get3A = arith.index_cast %add3A_51 : i32 to index
        %get3A_52 = tpu.vector_load %arg8[%get3A] {strides = array<i32>} : memref<1040xf32, #tpu.memory_space<vmem>>, vector<16xf32>,
        %slice3A = vector.extract_strided_slice %get3A_52 {offsets = [0], sizes = [1], strides = [1]} : vector<16xf32> to vector<1xf32>
        %squeeze3A = vector.extract %slice3A[0] : f32 from vector<1xf32>
        %get3A_53 = arith.index_cast %add3A_51 : i32 to index
        %get3A_54 = tpu.vector_load %arg9[%get3A_53] {strides = array<i32>} : memref<1040xf32, #tpu.memory_space<vmem>>, vector<16xf32>,
        %slice3A_55 = vector.extract_strided_slice %get3A_54 {offsets = [0], sizes = [1], strides = [1]} : vector<16xf32> to vector<1xf32>
        %squeeze3A_56 = vector.extract %slice3A_55[0] : f32 from vector<1xf32>
        %get3A_57 = arith.index_cast %add3A_51 : i32 to index
        %get3A_58 = tpu.vector_load %arg10[%get3A_57] {strides = array<i32>} : memref<1040xf32, #tpu.memory_space<vmem>>, vector<16xf32>,
        %slice3A_59 = vector.extract_strided_slice %get3A_58 {offsets = [0], sizes = [1], strides = [1]} : vector<16xf32> to vector<1xf32>
        %squeeze3A_60 = vector.extract %slice3A_59[0] : f32 from vector<1xf32>
        %mul3A_61 = arith.constant 16 : i32
        %mul3A_62 = arith.muli %scan3A_36, %mul3A_61 : i32
        %add3A_63 = arith.addi %mul3A_62, %scan3A_45 : i32
        %get3A_64 = arith.index_cast %add3A_63 : i32 to index
        %get3A_65 = tpu.vector_load %arg15[%get3A_64] {strides = array<i32>} : memref<272xi32, #tpu.memory_space<vmem>>, vector<16xi32>,
        %slice3A_66 = vector.extract_strided_slice %get3A_65 {offsets = [0], sizes = [1], strides = [1]} : vector<16xi32> to vector<1xi32>
        %squeeze3A_67 = vector.extract %slice3A_66[0] : i32 from vector<1xi32>
        %mul3A_68 = arith.constant 16 : i32
        %mul3A_69 = arith.muli %scan3A_36, %mul3A_68 : i32
        %add3A_70 = arith.addi %mul3A_69, %scan3A_45 : i32
        %get3A_71 = arith.index_cast %add3A_70 : i32 to index
        %get3A_72 = tpu.vector_load %arg16[%get3A_71] {strides = array<i32>} : memref<272xi32, #tpu.memory_space<vmem>>, vector<16xi32>,
        %slice3A_73 = vector.extract_strided_slice %get3A_72 {offsets = [0], sizes = [1], strides = [1]} : vector<16xi32> to vector<1xi32>
        %squeeze3A_74 = vector.extract %slice3A_73[0] : i32 from vector<1xi32>
        %scan3A_75 = arith.constant 0 : i32
        %scan3A_76 = arith.constant 64 : i32
        %scan3A_77 = arith.addi %scan3A_75, %scan3A_76 : i32
        %scan3A_78 = arith.constant 4 : i32
        scf.for %scan3A_327 = %scan3A_75 to %scan3A_77 step %scan3A_78  : i32 {
          %mul3A_328 = arith.constant 1024 : i32
          %mul3A_329 = arith.muli %scan3A_45, %mul3A_328 : i32
          %mul3A_330 = arith.constant 16 : i32
          %mul3A_331 = arith.muli %scan3A_327, %mul3A_330 : i32
          %add3A_332 = arith.addi %mul3A_329, %mul3A_331 : i32
          %get3A_333 = arith.index_cast %add3A_332 : i32 to index
          %get3A_334 = tpu.vector_load %arg13[%get3A_333] {strides = array<i32>} : memref<16384xi32, #tpu.memory_space<vmem>>, vector<16xi32>,
          %mul3A_335 = arith.constant 16 : i32
          %mul3A_336 = arith.muli %scan3A_327, %mul3A_335 : i32
          %get3A_337 = arith.index_cast %mul3A_336 : i32 to index
          %get3A_338 = tpu.vector_load %arg8[%get3A_337] {strides = array<i32>} : memref<1040xf32, #tpu.memory_space<vmem>>, vector<16xf32>,
          %sub3A_339 = vector.broadcast %squeeze3A : f32 to vector<16xf32>
          %sub3A_340 = arith.subf %get3A_338, %sub3A_339 : vector<16xf32>
          %get3A_341 = arith.index_cast %mul3A_336 : i32 to index
          %get3A_342 = tpu.vector_load %arg9[%get3A_341] {strides = array<i32>} : memref<1040xf32, #tpu.memory_space<vmem>>, vector<16xf32>,
          %sub3A_343 = vector.broadcast %squeeze3A_56 : f32 to vector<16xf32>
          %sub3A_344 = arith.subf %get3A_342, %sub3A_343 : vector<16xf32>
          %get3A_345 = arith.index_cast %mul3A_336 : i32 to index
          %get3A_346 = tpu.vector_load %arg10[%get3A_345] {strides = array<i32>} : memref<1040xf32, #tpu.memory_space<vmem>>, vector<16xf32>,
          %sub3A_347 = vector.broadcast %squeeze3A_60 : f32 to vector<16xf32>
          %sub3A_348 = arith.subf %get3A_346, %sub3A_347 : vector<16xf32>
          %mul3A_349 = arith.mulf %sub3A_340, %sub3A_340 : vector<16xf32>
          %mul3A_350 = arith.mulf %sub3A_344, %sub3A_344 : vector<16xf32>
          %add3A_351 = arith.addf %mul3A_349, %mul3A_350 : vector<16xf32>
          %mul3A_352 = arith.mulf %sub3A_348, %sub3A_348 : vector<16xf32>
          %add3A_353 = arith.addf %add3A_351, %mul3A_352 : vector<16xf32>
          tpu.vector_store_idx %arg11[%get3A_334], %add3A_353 : memref<1040xf32, #tpu.memory_space<vmem>>[vector<16xi32>], vector<16xf32>,
          %scan3A_354 = arith.constant 1 : i32
          %scan3A_355 = arith.addi %scan3A_327, %scan3A_354 : i32
          %mul3A_356 = arith.constant 1024 : i32
          %mul3A_357 = arith.muli %scan3A_45, %mul3A_356 : i32
          %mul3A_358 = arith.constant 16 : i32
          %mul3A_359 = arith.muli %scan3A_355, %mul3A_358 : i32
          %add3A_360 = arith.addi %mul3A_357, %mul3A_359 : i32
          %get3A_361 = arith.index_cast %add3A_360 : i32 to index
          %get3A_362 = tpu.vector_load %arg13[%get3A_361] {strides = array<i32>} : memref<16384xi32, #tpu.memory_space<vmem>>, vector<16xi32>,
          %mul3A_363 = arith.constant 16 : i32
          %mul3A_364 = arith.muli %scan3A_355, %mul3A_363 : i32
          %get3A_365 = arith.index_cast %mul3A_364 : i32 to index
          %get3A_366 = tpu.vector_load %arg8[%get3A_365] {strides = array<i32>} : memref<1040xf32, #tpu.memory_space<vmem>>, vector<16xf32>,
          %sub3A_367 = vector.broadcast %squeeze3A : f32 to vector<16xf32>
          %sub3A_368 = arith.subf %get3A_366, %sub3A_367 : vector<16xf32>
          %get3A_369 = arith.index_cast %mul3A_364 : i32 to index
          %get3A_370 = tpu.vector_load %arg9[%get3A_369] {strides = array<i32>} : memref<1040xf32, #tpu.memory_space<vmem>>, vector<16xf32>,
          %sub3A_371 = vector.broadcast %squeeze3A_56 : f32 to vector<16xf32>
          %sub3A_372 = arith.subf %get3A_370, %sub3A_371 : vector<16xf32>
          %get3A_373 = arith.index_cast %mul3A_364 : i32 to index
          %get3A_374 = tpu.vector_load %arg10[%get3A_373] {strides = array<i32>} : memref<1040xf32, #tpu.memory_space<vmem>>, vector<16xf32>,
          %sub3A_375 = vector.broadcast %squeeze3A_60 : f32 to vector<16xf32>
          %sub3A_376 = arith.subf %get3A_374, %sub3A_375 : vector<16xf32>
          %mul3A_377 = arith.mulf %sub3A_368, %sub3A_368 : vector<16xf32>
          %mul3A_378 = arith.mulf %sub3A_372, %sub3A_372 : vector<16xf32>
          %add3A_379 = arith.addf %mul3A_377, %mul3A_378 : vector<16xf32>
          %mul3A_380 = arith.mulf %sub3A_376, %sub3A_376 : vector<16xf32>
          %add3A_381 = arith.addf %add3A_379, %mul3A_380 : vector<16xf32>
          tpu.vector_store_idx %arg11[%get3A_362], %add3A_381 : memref<1040xf32, #tpu.memory_space<vmem>>[vector<16xi32>], vector<16xf32>,
          %scan3A_382 = arith.constant 2 : i32
          %scan3A_383 = arith.addi %scan3A_327, %scan3A_382 : i32
          %mul3A_384 = arith.constant 1024 : i32
          %mul3A_385 = arith.muli %scan3A_45, %mul3A_384 : i32
          %mul3A_386 = arith.constant 16 : i32
          %mul3A_387 = arith.muli %scan3A_383, %mul3A_386 : i32
          %add3A_388 = arith.addi %mul3A_385, %mul3A_387 : i32
          %get3A_389 = arith.index_cast %add3A_388 : i32 to index
          %get3A_390 = tpu.vector_load %arg13[%get3A_389] {strides = array<i32>} : memref<16384xi32, #tpu.memory_space<vmem>>, vector<16xi32>,
          %mul3A_391 = arith.constant 16 : i32
          %mul3A_392 = arith.muli %scan3A_383, %mul3A_391 : i32
          %get3A_393 = arith.index_cast %mul3A_392 : i32 to index
          %get3A_394 = tpu.vector_load %arg8[%get3A_393] {strides = array<i32>} : memref<1040xf32, #tpu.memory_space<vmem>>, vector<16xf32>,
          %sub3A_395 = vector.broadcast %squeeze3A : f32 to vector<16xf32>
          %sub3A_396 = arith.subf %get3A_394, %sub3A_395 : vector<16xf32>
          %get3A_397 = arith.index_cast %mul3A_392 : i32 to index
          %get3A_398 = tpu.vector_load %arg9[%get3A_397] {strides = array<i32>} : memref<1040xf32, #tpu.memory_space<vmem>>, vector<16xf32>,
          %sub3A_399 = vector.broadcast %squeeze3A_56 : f32 to vector<16xf32>
          %sub3A_400 = arith.subf %get3A_398, %sub3A_399 : vector<16xf32>
          %get3A_401 = arith.index_cast %mul3A_392 : i32 to index
          %get3A_402 = tpu.vector_load %arg10[%get3A_401] {strides = array<i32>} : memref<1040xf32, #tpu.memory_space<vmem>>, vector<16xf32>,
          %sub3A_403 = vector.broadcast %squeeze3A_60 : f32 to vector<16xf32>
          %sub3A_404 = arith.subf %get3A_402, %sub3A_403 : vector<16xf32>
          %mul3A_405 = arith.mulf %sub3A_396, %sub3A_396 : vector<16xf32>
          %mul3A_406 = arith.mulf %sub3A_400, %sub3A_400 : vector<16xf32>
          %add3A_407 = arith.addf %mul3A_405, %mul3A_406 : vector<16xf32>
          %mul3A_408 = arith.mulf %sub3A_404, %sub3A_404 : vector<16xf32>
          %add3A_409 = arith.addf %add3A_407, %mul3A_408 : vector<16xf32>
          tpu.vector_store_idx %arg11[%get3A_390], %add3A_409 : memref<1040xf32, #tpu.memory_space<vmem>>[vector<16xi32>], vector<16xf32>,
          %scan3A_410 = arith.constant 3 : i32
          %scan3A_411 = arith.addi %scan3A_327, %scan3A_410 : i32
          %mul3A_412 = arith.constant 1024 : i32
          %mul3A_413 = arith.muli %scan3A_45, %mul3A_412 : i32
          %mul3A_414 = arith.constant 16 : i32
          %mul3A_415 = arith.muli %scan3A_411, %mul3A_414 : i32
          %add3A_416 = arith.addi %mul3A_413, %mul3A_415 : i32
          %get3A_417 = arith.index_cast %add3A_416 : i32 to index
          %get3A_418 = tpu.vector_load %arg13[%get3A_417] {strides = array<i32>} : memref<16384xi32, #tpu.memory_space<vmem>>, vector<16xi32>,
          %mul3A_419 = arith.constant 16 : i32
          %mul3A_420 = arith.muli %scan3A_411, %mul3A_419 : i32
          %get3A_421 = arith.index_cast %mul3A_420 : i32 to index
          %get3A_422 = tpu.vector_load %arg8[%get3A_421] {strides = array<i32>} : memref<1040xf32, #tpu.memory_space<vmem>>, vector<16xf32>,
          %sub3A_423 = vector.broadcast %squeeze3A : f32 to vector<16xf32>
          %sub3A_424 = arith.subf %get3A_422, %sub3A_423 : vector<16xf32>
          %get3A_425 = arith.index_cast %mul3A_420 : i32 to index
          %get3A_426 = tpu.vector_load %arg9[%get3A_425] {strides = array<i32>} : memref<1040xf32, #tpu.memory_space<vmem>>, vector<16xf32>,
          %sub3A_427 = vector.broadcast %squeeze3A_56 : f32 to vector<16xf32>
          %sub3A_428 = arith.subf %get3A_426, %sub3A_427 : vector<16xf32>
          %get3A_429 = arith.index_cast %mul3A_420 : i32 to index
          %get3A_430 = tpu.vector_load %arg10[%get3A_429] {strides = array<i32>} : memref<1040xf32, #tpu.memory_space<vmem>>, vector<16xf32>,
          %sub3A_431 = vector.broadcast %squeeze3A_60 : f32 to vector<16xf32>
          %sub3A_432 = arith.subf %get3A_430, %sub3A_431 : vector<16xf32>
          %mul3A_433 = arith.mulf %sub3A_424, %sub3A_424 : vector<16xf32>
          %mul3A_434 = arith.mulf %sub3A_428, %sub3A_428 : vector<16xf32>
          %add3A_435 = arith.addf %mul3A_433, %mul3A_434 : vector<16xf32>
          %mul3A_436 = arith.mulf %sub3A_432, %sub3A_432 : vector<16xf32>
          %add3A_437 = arith.addf %add3A_435, %mul3A_436 : vector<16xf32>
          tpu.vector_store_idx %arg11[%get3A_418], %add3A_437 : memref<1040xf32, #tpu.memory_space<vmem>>[vector<16xi32>], vector<16xf32>,
        }
        %scan3A_79 = arith.constant 64 : i32
        %scan3A_80 = arith.constant 0 : i32
        %scan3A_81 = arith.constant 0 : i32
        %scan3A_82 = arith.constant 62 : i32
        %scan3A_83 = arith.addi %scan3A_81, %scan3A_82 : i32
        %scan3A_84 = arith.constant 2 : i32
        %scan3A_85 = scf.for %scan3A_327 = %scan3A_81 to %scan3A_83 step %scan3A_84 iter_args(%scan3A_328 = %scan3A_80) -> (i32)  : i32 {
          %mul3A_329 = arith.constant 1024 : i32
          %mul3A_330 = arith.muli %scan3A_45, %mul3A_329 : i32
          %mul3A_331 = arith.constant 16 : i32
          %mul3A_332 = arith.muli %scan3A_327, %mul3A_331 : i32
          %add3A_333 = arith.addi %mul3A_330, %mul3A_332 : i32
          %get3A_334 = arith.index_cast %add3A_333 : i32 to index
          %get3A_335 = tpu.vector_load %arg12[%get3A_334] {strides = array<i32>} : memref<16384xi32, #tpu.memory_space<vmem>>, vector<16xi32>,
          %mul3A_336 = arith.constant 16 : i32
          %mul3A_337 = arith.muli %scan3A_327, %mul3A_336 : i32
          %get3A_338 = arith.index_cast %mul3A_337 : i32 to index
          %get3A_339 = tpu.vector_load %arg11[%get3A_338] {strides = array<i32>} : memref<1040xf32, #tpu.memory_space<vmem>>, vector<16xf32>,
          %le3A_340 = vector.broadcast %scan3A : f32 to vector<16xf32>
          %le3A_341 = arith.cmpf ole, %get3A_339, %le3A_340 : vector<16xf32>
          %swap3A_342 = arith.index_cast %scan3A_328 : i32 to index
          %swap3A_343 = tpu.vector_load %arg19[%swap3A_342] masked %le3A_341 {strides = array<i32>} : memref<1040xi32, #tpu.memory_space<vmem>>, vector<16xi32>, vector<16xi1>
          tpu.vector_store %arg19[%swap3A_342], %get3A_335 masked %le3A_341 {strides = array<i32>} : memref<1040xi32, #tpu.memory_space<vmem>>, vector<16xi32>, vector<16xi1>
          %swap3A_344 = arith.index_cast %scan3A_328 : i32 to index
          %swap3A_345 = tpu.vector_load %arg20[%swap3A_344] masked %le3A_341 {strides = array<i32>} : memref<1040xf32, #tpu.memory_space<vmem>>, vector<16xf32>, vector<16xi1>
          tpu.vector_store %arg20[%swap3A_344], %get3A_339 masked %le3A_341 {strides = array<i32>} : memref<1040xf32, #tpu.memory_space<vmem>>, vector<16xf32>, vector<16xi1>
          %all_reduce_population_count3A_346 = tpu.all_reduce %le3A_341 {dim = 0 : i64, kind = #tpu.reduction_kind<sum>} : vector<16xi1> -> vector<16xi32>
          %slice3A_347 = vector.extract_strided_slice %all_reduce_population_count3A_346 {offsets = [0], sizes = [1], strides = [1]} : vector<16xi32> to vector<1xi32>
          %squeeze3A_348 = vector.extract %slice3A_347[0] : i32 from vector<1xi32>
          %add3A_349 = arith.addi %scan3A_328, %squeeze3A_348 : i32
          %scan3A_350 = arith.constant 1 : i32
          %scan3A_351 = arith.addi %scan3A_327, %scan3A_350 : i32
          %mul3A_352 = arith.constant 1024 : i32
          %mul3A_353 = arith.muli %scan3A_45, %mul3A_352 : i32
          %mul3A_354 = arith.constant 16 : i32
          %mul3A_355 = arith.muli %scan3A_351, %mul3A_354 : i32
          %add3A_356 = arith.addi %mul3A_353, %mul3A_355 : i32
          %get3A_357 = arith.index_cast %add3A_356 : i32 to index
          %get3A_358 = tpu.vector_load %arg12[%get3A_357] {strides = array<i32>} : memref<16384xi32, #tpu.memory_space<vmem>>, vector<16xi32>,
          %mul3A_359 = arith.constant 16 : i32
          %mul3A_360 = arith.muli %scan3A_351, %mul3A_359 : i32
          %get3A_361 = arith.index_cast %mul3A_360 : i32 to index
          %get3A_362 = tpu.vector_load %arg11[%get3A_361] {strides = array<i32>} : memref<1040xf32, #tpu.memory_space<vmem>>, vector<16xf32>,
          %le3A_363 = vector.broadcast %scan3A : f32 to vector<16xf32>
          %le3A_364 = arith.cmpf ole, %get3A_362, %le3A_363 : vector<16xf32>
          %swap3A_365 = arith.index_cast %add3A_349 : i32 to index
          %swap3A_366 = tpu.vector_load %arg19[%swap3A_365] masked %le3A_364 {strides = array<i32>} : memref<1040xi32, #tpu.memory_space<vmem>>, vector<16xi32>, vector<16xi1>
          tpu.vector_store %arg19[%swap3A_365], %get3A_358 masked %le3A_364 {strides = array<i32>} : memref<1040xi32, #tpu.memory_space<vmem>>, vector<16xi32>, vector<16xi1>
          %swap3A_367 = arith.index_cast %add3A_349 : i32 to index
          %swap3A_368 = tpu.vector_load %arg20[%swap3A_367] masked %le3A_364 {strides = array<i32>} : memref<1040xf32, #tpu.memory_space<vmem>>, vector<16xf32>, vector<16xi1>
          tpu.vector_store %arg20[%swap3A_367], %get3A_362 masked %le3A_364 {strides = array<i32>} : memref<1040xf32, #tpu.memory_space<vmem>>, vector<16xf32>, vector<16xi1>
          %all_reduce_population_count3A_369 = tpu.all_reduce %le3A_364 {dim = 0 : i64, kind = #tpu.reduction_kind<sum>} : vector<16xi1> -> vector<16xi32>
          %slice3A_370 = vector.extract_strided_slice %all_reduce_population_count3A_369 {offsets = [0], sizes = [1], strides = [1]} : vector<16xi32> to vector<1xi32>
          %squeeze3A_371 = vector.extract %slice3A_370[0] : i32 from vector<1xi32>
          %add3A_372 = arith.addi %add3A_349, %squeeze3A_371 : i32
          scf.yield %add3A_372 : i32
        }
        %scan3A_86 = arith.constant 62 : i32
        %scan3A_87 = arith.addi %scan3A_81, %scan3A_86 : i32
        %mul3A_88 = arith.constant 1024 : i32
        %mul3A_89 = arith.muli %scan3A_45, %mul3A_88 : i32
        %mul3A_90 = arith.constant 16 : i32
        %mul3A_91 = arith.muli %scan3A_87, %mul3A_90 : i32
        %add3A_92 = arith.addi %mul3A_89, %mul3A_91 : i32
        %get3A_93 = arith.index_cast %add3A_92 : i32 to index
        %get3A_94 = tpu.vector_load %arg12[%get3A_93] {strides = array<i32>} : memref<16384xi32, #tpu.memory_space<vmem>>, vector<16xi32>,
        %mul3A_95 = arith.constant 16 : i32
        %mul3A_96 = arith.muli %scan3A_87, %mul3A_95 : i32
        %get3A_97 = arith.index_cast %mul3A_96 : i32 to index
        %get3A_98 = tpu.vector_load %arg11[%get3A_97] {strides = array<i32>} : memref<1040xf32, #tpu.memory_space<vmem>>, vector<16xf32>,
        %le3A = vector.broadcast %scan3A : f32 to vector<16xf32>
        %le3A_99 = arith.cmpf ole, %get3A_98, %le3A : vector<16xf32>
        %swap3A = arith.index_cast %scan3A_85 : i32 to index
        %swap3A_100 = tpu.vector_load %arg19[%swap3A] masked %le3A_99 {strides = array<i32>} : memref<1040xi32, #tpu.memory_space<vmem>>, vector<16xi32>, vector<16xi1>
        tpu.vector_store %arg19[%swap3A], %get3A_94 masked %le3A_99 {strides = array<i32>} : memref<1040xi32, #tpu.memory_space<vmem>>, vector<16xi32>, vector<16xi1>
        %swap3A_101 = arith.index_cast %scan3A_85 : i32 to index
        %swap3A_102 = tpu.vector_load %arg20[%swap3A_101] masked %le3A_99 {strides = array<i32>} : memref<1040xf32, #tpu.memory_space<vmem>>, vector<16xf32>, vector<16xi1>
        tpu.vector_store %arg20[%swap3A_101], %get3A_98 masked %le3A_99 {strides = array<i32>} : memref<1040xf32, #tpu.memory_space<vmem>>, vector<16xf32>, vector<16xi1>
        %all_reduce_population_count3A = tpu.all_reduce %le3A_99 {dim = 0 : i64, kind = #tpu.reduction_kind<sum>} : vector<16xi1> -> vector<16xi32>
        %slice3A_103 = vector.extract_strided_slice %all_reduce_population_count3A {offsets = [0], sizes = [1], strides = [1]} : vector<16xi32> to vector<1xi32>
        %squeeze3A_104 = vector.extract %slice3A_103[0] : i32 from vector<1xi32>
        %add3A_105 = arith.addi %scan3A_85, %squeeze3A_104 : i32
        %scan3A_106 = arith.constant 63 : i32
        %mul3A_107 = arith.constant 1024 : i32
        %mul3A_108 = arith.muli %scan3A_45, %mul3A_107 : i32
        %add3A_109 = arith.constant 1024 : i32
        %add3A_110 = arith.addi %mul3A_108, %add3A_109 : i32
        %sub3A_111 = arith.constant 16 : i32
        %sub3A_112 = arith.subi %add3A_110, %sub3A_111 : i32
        %get3A_113 = arith.index_cast %sub3A_112 : i32 to index
        %get3A_114 = tpu.vector_load %arg12[%get3A_113] {strides = array<i32>} : memref<16384xi32, #tpu.memory_space<vmem>>, vector<16xi32>,
        %get3A_115 = arith.constant 1008 : index
        %get3A_116 = tpu.vector_load %arg11[%get3A_115] {strides = array<i32>} : memref<1040xf32, #tpu.memory_space<vmem>>, vector<16xf32>,
        %le3A_117 = vector.broadcast %scan3A : f32 to vector<16xf32>
        %le3A_118 = arith.cmpf ole, %get3A_116, %le3A_117 : vector<16xf32>
        %add3A_119 = arith.constant 1008 : i32
        %add3A_120 = vector.broadcast %add3A_119 : i32 to vector<16xi32>
        %add3A_121 = arith.addi %add3A_120, %iota3A : vector<16xi32>
        %lt3A = vector.broadcast %squeeze3A_67 : i32 to vector<16xi32>
        %lt3A_122 = arith.cmpi slt, %add3A_121, %lt3A : vector<16xi32>
        %and3A_123 = arith.andi %le3A_118, %lt3A_122 : vector<16xi1>
        %swap3A_124 = arith.index_cast %add3A_105 : i32 to index
        %swap3A_125 = tpu.vector_load %arg19[%swap3A_124] masked %and3A_123 {strides = array<i32>} : memref<1040xi32, #tpu.memory_space<vmem>>, vector<16xi32>, vector<16xi1>
        tpu.vector_store %arg19[%swap3A_124], %get3A_114 masked %and3A_123 {strides = array<i32>} : memref<1040xi32, #tpu.memory_space<vmem>>, vector<16xi32>, vector<16xi1>
        %swap3A_126 = arith.index_cast %add3A_105 : i32 to index
        %swap3A_127 = tpu.vector_load %arg20[%swap3A_126] masked %and3A_123 {strides = array<i32>} : memref<1040xf32, #tpu.memory_space<vmem>>, vector<16xf32>, vector<16xi1>
        tpu.vector_store %arg20[%swap3A_126], %get3A_116 masked %and3A_123 {strides = array<i32>} : memref<1040xf32, #tpu.memory_space<vmem>>, vector<16xf32>, vector<16xi1>
        %all_reduce_population_count3A_128 = tpu.all_reduce %and3A_123 {dim = 0 : i64, kind = #tpu.reduction_kind<sum>} : vector<16xi1> -> vector<16xi32>
        %slice3A_129 = vector.extract_strided_slice %all_reduce_population_count3A_128 {offsets = [0], sizes = [1], strides = [1]} : vector<16xi32> to vector<1xi32>
        %squeeze3A_130 = vector.extract %slice3A_129[0] : i32 from vector<1xi32>
        %add3A_131 = arith.addi %add3A_105, %squeeze3A_130 : i32
        %add3A_132 = arith.constant 15 : i32
        %add3A_133 = arith.addi %add3A_131, %add3A_132 : i32
        %jit3A_134 = arith.constant 16 : i32
        %div3A_135 = arith.divsi %add3A_133, %jit3A_134 : i32
        %sign3A_136 = arith.constant 0 : i32
        %sign3A_137 = arith.cmpi sgt, %add3A_133, %sign3A_136 : i32
        %sign3A_138 = arith.extui %sign3A_137 : i1 to i32
        %sign3A_139 = arith.constant 0 : i32
        %sign3A_140 = arith.cmpi slt, %add3A_133, %sign3A_139 : i32
        %sign3A_141 = arith.extui %sign3A_140 : i1 to i32
        %sign3A_142 = arith.subi %sign3A_138, %sign3A_141 : i32
        %sign3A_143 = arith.constant 0 : i32
        %sign3A_144 = arith.cmpi sgt, %jit3A_134, %sign3A_143 : i32
        %sign3A_145 = arith.extui %sign3A_144 : i1 to i32
        %sign3A_146 = arith.constant 0 : i32
        %sign3A_147 = arith.cmpi slt, %jit3A_134, %sign3A_146 : i32
        %sign3A_148 = arith.extui %sign3A_147 : i1 to i32
        %sign3A_149 = arith.subi %sign3A_145, %sign3A_148 : i32
        %ne3A_150 = arith.cmpi ne, %sign3A_142, %sign3A_149 : i32
        %rem3A_151 = arith.remsi %add3A_133, %jit3A_134 : i32
        %ne3A_152 = arith.constant 0 : i32
        %ne3A_153 = arith.cmpi ne, %rem3A_151, %ne3A_152 : i32
        %and3A_154 = arith.andi %ne3A_150, %ne3A_153 : i1
        %sub3A_155 = arith.constant 1 : i32
        %sub3A_156 = arith.subi %div3A_135, %sub3A_155 : i32
        %select_n3A_157 = arith.select %and3A_154, %sub3A_156, %div3A_135 : i32
        %while3A = arith.constant 0 : i32
        %while3A_158 = arith.constant 0 : i32
        %while3A_159 = arith.constant 0 : i32
        %while3A_160 = arith.subi %select_n3A_157, %while3A : i32
        %while3A_161 = arith.addi %while3A, %while3A_160 : i32
        %while3A_162 = arith.constant 1 : i32
        %while3A_163 = arith.divsi %while3A_160, %while3A_162 : i32
        %while3A_164 = arith.muli %while3A_163, %while3A_162 : i32
        %while3A_165 = arith.addi %while3A, %while3A_164 : i32
        %while3A_166 = arith.constant 1 : i32
        %while3A_167:2 = scf.for %while3A_327 = %while3A to %while3A_165 step %while3A_166 iter_args(%while3A_328 = %while3A_158, %while3A_329 = %while3A_159) -> (i32, i32)  : i32 {
          %mul3A_330 = arith.constant 16 : i32
          %mul3A_331 = arith.muli %while3A_327, %mul3A_330 : i32
          %get3A_332 = arith.index_cast %mul3A_331 : i32 to index
          %get3A_333 = tpu.vector_load %arg19[%get3A_332] {strides = array<i32>} : memref<1040xi32, #tpu.memory_space<vmem>>, vector<16xi32>,
          %mul3A_334 = arith.constant 16 : i32
          %mul3A_335 = arith.muli %while3A_327, %mul3A_334 : i32
          %get3A_336 = arith.index_cast %mul3A_335 : i32 to index
          %get3A_337 = tpu.vector_load %arg20[%get3A_336] {strides = array<i32>} : memref<1040xf32, #tpu.memory_space<vmem>>, vector<16xf32>,
          %mul3A_338 = arith.constant 16 : i32
          %mul3A_339 = arith.muli %while3A_327, %mul3A_338 : i32
          %add3A_340 = vector.broadcast %mul3A_339 : i32 to vector<16xi32>
          %add3A_341 = arith.addi %add3A_340, %iota3A : vector<16xi32>
          %lt3A_342 = vector.broadcast %add3A_131 : i32 to vector<16xi32>
          %lt3A_343 = arith.cmpi slt, %add3A_341, %lt3A_342 : vector<16xi32>
          %le3A_344 = vector.broadcast %scan3A_29 : f32 to vector<16xf32>
          %le3A_345 = arith.cmpf ole, %get3A_337, %le3A_344 : vector<16xf32>
          %and3A_346 = arith.andi %le3A_345, %lt3A_343 : vector<16xi1>
          %le3A_347 = vector.broadcast %scan3A_30 : f32 to vector<16xf32>
          %le3A_348 = arith.cmpf ole, %get3A_337, %le3A_347 : vector<16xf32>
          %and3A_349 = arith.andi %le3A_348, %lt3A_343 : vector<16xi1>
          %min3A = arith.constant 32 : i32
          %min3A_350 = arith.minsi %while3A_328, %min3A : i32
          %swap3A_351 = arith.index_cast %min3A_350 : i32 to index
          %swap3A_352 = tpu.vector_load %arg17[%swap3A_351] masked %and3A_346 {strides = array<i32>} : memref<64xi32, #tpu.memory_space<vmem>>, vector<16xi32>, vector<16xi1>
          tpu.vector_store %arg17[%swap3A_351], %get3A_333 masked %and3A_346 {strides = array<i32>} : memref<64xi32, #tpu.memory_space<vmem>>, vector<16xi32>, vector<16xi1>
          %min3A_353 = arith.constant 32 : i32
          %min3A_354 = arith.minsi %while3A_329, %min3A_353 : i32
          %swap3A_355 = arith.index_cast %min3A_354 : i32 to index
          %swap3A_356 = tpu.vector_load %arg18[%swap3A_355] masked %and3A_349 {strides = array<i32>} : memref<64xi32, #tpu.memory_space<vmem>>, vector<16xi32>, vector<16xi1>
          tpu.vector_store %arg18[%swap3A_355], %get3A_333 masked %and3A_349 {strides = array<i32>} : memref<64xi32, #tpu.memory_space<vmem>>, vector<16xi32>, vector<16xi1>
          %all_reduce_population_count3A_357 = tpu.all_reduce %and3A_346 {dim = 0 : i64, kind = #tpu.reduction_kind<sum>} : vector<16xi1> -> vector<16xi32>
          %slice3A_358 = vector.extract_strided_slice %all_reduce_population_count3A_357 {offsets = [0], sizes = [1], strides = [1]} : vector<16xi32> to vector<1xi32>
          %squeeze3A_359 = vector.extract %slice3A_358[0] : i32 from vector<1xi32>
          %add3A_360 = arith.addi %while3A_328, %squeeze3A_359 : i32
          %all_reduce_population_count3A_361 = tpu.all_reduce %and3A_349 {dim = 0 : i64, kind = #tpu.reduction_kind<sum>} : vector<16xi1> -> vector<16xi32>
          %slice3A_362 = vector.extract_strided_slice %all_reduce_population_count3A_361 {offsets = [0], sizes = [1], strides = [1]} : vector<16xi32> to vector<1xi32>
          %squeeze3A_363 = vector.extract %slice3A_362[0] : i32 from vector<1xi32>
          %add3A_364 = arith.addi %while3A_329, %squeeze3A_363 : i32
          scf.yield %add3A_360, %add3A_364 : i32, i32
        }
        %while3A_168 = arith.constant 1 : i32
        %while3A_169:2 = scf.for %while3A_327 = %while3A_165 to %while3A_161 step %while3A_168 iter_args(%while3A_328 = %while3A_167#0, %while3A_329 = %while3A_167#1) -> (i32, i32)  : i32 {
          %mul3A_330 = arith.constant 16 : i32
          %mul3A_331 = arith.muli %while3A_327, %mul3A_330 : i32
          %get3A_332 = arith.index_cast %mul3A_331 : i32 to index
          %get3A_333 = tpu.vector_load %arg19[%get3A_332] {strides = array<i32>} : memref<1040xi32, #tpu.memory_space<vmem>>, vector<16xi32>,
          %mul3A_334 = arith.constant 16 : i32
          %mul3A_335 = arith.muli %while3A_327, %mul3A_334 : i32
          %get3A_336 = arith.index_cast %mul3A_335 : i32 to index
          %get3A_337 = tpu.vector_load %arg20[%get3A_336] {strides = array<i32>} : memref<1040xf32, #tpu.memory_space<vmem>>, vector<16xf32>,
          %mul3A_338 = arith.constant 16 : i32
          %mul3A_339 = arith.muli %while3A_327, %mul3A_338 : i32
          %add3A_340 = vector.broadcast %mul3A_339 : i32 to vector<16xi32>
          %add3A_341 = arith.addi %add3A_340, %iota3A : vector<16xi32>
          %lt3A_342 = vector.broadcast %add3A_131 : i32 to vector<16xi32>
          %lt3A_343 = arith.cmpi slt, %add3A_341, %lt3A_342 : vector<16xi32>
          %le3A_344 = vector.broadcast %scan3A_29 : f32 to vector<16xf32>
          %le3A_345 = arith.cmpf ole, %get3A_337, %le3A_344 : vector<16xf32>
          %and3A_346 = arith.andi %le3A_345, %lt3A_343 : vector<16xi1>
          %le3A_347 = vector.broadcast %scan3A_30 : f32 to vector<16xf32>
          %le3A_348 = arith.cmpf ole, %get3A_337, %le3A_347 : vector<16xf32>
          %and3A_349 = arith.andi %le3A_348, %lt3A_343 : vector<16xi1>
          %min3A = arith.constant 32 : i32
          %min3A_350 = arith.minsi %while3A_328, %min3A : i32
          %swap3A_351 = arith.index_cast %min3A_350 : i32 to index
          %swap3A_352 = tpu.vector_load %arg17[%swap3A_351] masked %and3A_346 {strides = array<i32>} : memref<64xi32, #tpu.memory_space<vmem>>, vector<16xi32>, vector<16xi1>
          tpu.vector_store %arg17[%swap3A_351], %get3A_333 masked %and3A_346 {strides = array<i32>} : memref<64xi32, #tpu.memory_space<vmem>>, vector<16xi32>, vector<16xi1>
          %min3A_353 = arith.constant 32 : i32
          %min3A_354 = arith.minsi %while3A_329, %min3A_353 : i32
          %swap3A_355 = arith.index_cast %min3A_354 : i32 to index
          %swap3A_356 = tpu.vector_load %arg18[%swap3A_355] masked %and3A_349 {strides = array<i32>} : memref<64xi32, #tpu.memory_space<vmem>>, vector<16xi32>, vector<16xi1>
          tpu.vector_store %arg18[%swap3A_355], %get3A_333 masked %and3A_349 {strides = array<i32>} : memref<64xi32, #tpu.memory_space<vmem>>, vector<16xi32>, vector<16xi1>
          %all_reduce_population_count3A_357 = tpu.all_reduce %and3A_346 {dim = 0 : i64, kind = #tpu.reduction_kind<sum>} : vector<16xi1> -> vector<16xi32>
          %slice3A_358 = vector.extract_strided_slice %all_reduce_population_count3A_357 {offsets = [0], sizes = [1], strides = [1]} : vector<16xi32> to vector<1xi32>
          %squeeze3A_359 = vector.extract %slice3A_358[0] : i32 from vector<1xi32>
          %add3A_360 = arith.addi %while3A_328, %squeeze3A_359 : i32
          %all_reduce_population_count3A_361 = tpu.all_reduce %and3A_349 {dim = 0 : i64, kind = #tpu.reduction_kind<sum>} : vector<16xi1> -> vector<16xi32>
          %slice3A_362 = vector.extract_strided_slice %all_reduce_population_count3A_361 {offsets = [0], sizes = [1], strides = [1]} : vector<16xi32> to vector<1xi32>
          %squeeze3A_363 = vector.extract %slice3A_362[0] : i32 from vector<1xi32>
          %add3A_364 = arith.addi %while3A_329, %squeeze3A_363 : i32
          scf.yield %add3A_360, %add3A_364 : i32, i32
        }
        %scan3A_170 = arith.constant 0 : i32
        %scan3A_171 = arith.constant 4 : i32
        %scan3A_172 = arith.addi %scan3A_170, %scan3A_171 : i32
        %scan3A_173 = arith.constant 2 : i32
        %scan3A_174:3 = scf.for %scan3A_327 = %scan3A_170 to %scan3A_172 step %scan3A_173 iter_args(%scan3A_328 = %while3A_169#0, %scan3A_329 = %while3A_169#1, %scan3A_330 = %add3A_131) -> (i32, i32, i32)  : i32 {
          %mul3A_331 = arith.constant 16 : i32
          %mul3A_332 = arith.muli %scan3A_327, %mul3A_331 : i32
          %add3A_333 = vector.broadcast %mul3A_332 : i32 to vector<16xi32>
          %add3A_334 = arith.addi %add3A_333, %iota3A : vector<16xi32>
          %mul3A_335 = arith.constant 16 : i32
          %mul3A_336 = arith.muli %scan3A_327, %mul3A_335 : i32
          %get3A_337 = arith.index_cast %mul3A_336 : i32 to index
          %get3A_338 = tpu.vector_load %arg8[%get3A_337] {strides = array<i32>} : memref<1040xf32, #tpu.memory_space<vmem>>, vector<16xf32>,
          %sub3A_339 = vector.broadcast %squeeze3A : f32 to vector<16xf32>
          %sub3A_340 = arith.subf %get3A_338, %sub3A_339 : vector<16xf32>
          %get3A_341 = arith.index_cast %mul3A_336 : i32 to index
          %get3A_342 = tpu.vector_load %arg9[%get3A_341] {strides = array<i32>} : memref<1040xf32, #tpu.memory_space<vmem>>, vector<16xf32>,
          %sub3A_343 = vector.broadcast %squeeze3A_56 : f32 to vector<16xf32>
          %sub3A_344 = arith.subf %get3A_342, %sub3A_343 : vector<16xf32>
          %get3A_345 = arith.index_cast %mul3A_336 : i32 to index
          %get3A_346 = tpu.vector_load %arg10[%get3A_345] {strides = array<i32>} : memref<1040xf32, #tpu.memory_space<vmem>>, vector<16xf32>,
          %sub3A_347 = vector.broadcast %squeeze3A_60 : f32 to vector<16xf32>
          %sub3A_348 = arith.subf %get3A_346, %sub3A_347 : vector<16xf32>
          %mul3A_349 = arith.mulf %sub3A_340, %sub3A_340 : vector<16xf32>
          %mul3A_350 = arith.mulf %sub3A_344, %sub3A_344 : vector<16xf32>
          %add3A_351 = arith.addf %mul3A_349, %mul3A_350 : vector<16xf32>
          %mul3A_352 = arith.mulf %sub3A_348, %sub3A_348 : vector<16xf32>
          %add3A_353 = arith.addf %add3A_351, %mul3A_352 : vector<16xf32>
          %eq3A = vector.broadcast %squeeze3A_74 : i32 to vector<16xi32>
          %eq3A_354 = arith.cmpi eq, %add3A_334, %eq3A : vector<16xi32>
          %gt3A = vector.broadcast %scan3A_29 : f32 to vector<16xf32>
          %gt3A_355 = arith.cmpf ogt, %add3A_353, %gt3A : vector<16xf32>
          %or3A = arith.ori %gt3A_355, %eq3A_354 : vector<16xi1>
          %gt3A_356 = vector.broadcast %scan3A_30 : f32 to vector<16xf32>
          %gt3A_357 = arith.cmpf ogt, %add3A_353, %gt3A_356 : vector<16xf32>
          %or3A_358 = arith.ori %gt3A_357, %eq3A_354 : vector<16xi1>
          %gt3A_359 = vector.broadcast %scan3A : f32 to vector<16xf32>
          %gt3A_360 = arith.cmpf ogt, %add3A_353, %gt3A_359 : vector<16xf32>
          %or3A_361 = arith.ori %gt3A_360, %eq3A_354 : vector<16xi1>
          %min3A = arith.constant 32 : i32
          %min3A_362 = arith.minsi %scan3A_328, %min3A : i32
          %swap3A_363 = arith.index_cast %min3A_362 : i32 to index
          %swap3A_364 = tpu.vector_load %arg17[%swap3A_363] masked %or3A {strides = array<i32>} : memref<64xi32, #tpu.memory_space<vmem>>, vector<16xi32>, vector<16xi1>
          tpu.vector_store %arg17[%swap3A_363], %add3A_334 masked %or3A {strides = array<i32>} : memref<64xi32, #tpu.memory_space<vmem>>, vector<16xi32>, vector<16xi1>
          %min3A_365 = arith.constant 32 : i32
          %min3A_366 = arith.minsi %scan3A_329, %min3A_365 : i32
          %swap3A_367 = arith.index_cast %min3A_366 : i32 to index
          %swap3A_368 = tpu.vector_load %arg18[%swap3A_367] masked %or3A_358 {strides = array<i32>} : memref<64xi32, #tpu.memory_space<vmem>>, vector<16xi32>, vector<16xi1>
          tpu.vector_store %arg18[%swap3A_367], %add3A_334 masked %or3A_358 {strides = array<i32>} : memref<64xi32, #tpu.memory_space<vmem>>, vector<16xi32>, vector<16xi1>
          %min3A_369 = arith.constant 32 : i32
          %min3A_370 = arith.minsi %scan3A_330, %min3A_369 : i32
          %swap3A_371 = arith.index_cast %min3A_370 : i32 to index
          %swap3A_372 = tpu.vector_load %arg19[%swap3A_371] masked %or3A_361 {strides = array<i32>} : memref<1040xi32, #tpu.memory_space<vmem>>, vector<16xi32>, vector<16xi1>
          tpu.vector_store %arg19[%swap3A_371], %add3A_334 masked %or3A_361 {strides = array<i32>} : memref<1040xi32, #tpu.memory_space<vmem>>, vector<16xi32>, vector<16xi1>
          %all_reduce_population_count3A_373 = tpu.all_reduce %or3A {dim = 0 : i64, kind = #tpu.reduction_kind<sum>} : vector<16xi1> -> vector<16xi32>
          %slice3A_374 = vector.extract_strided_slice %all_reduce_population_count3A_373 {offsets = [0], sizes = [1], strides = [1]} : vector<16xi32> to vector<1xi32>
          %squeeze3A_375 = vector.extract %slice3A_374[0] : i32 from vector<1xi32>
          %add3A_376 = arith.addi %scan3A_328, %squeeze3A_375 : i32
          %all_reduce_population_count3A_377 = tpu.all_reduce %or3A_358 {dim = 0 : i64, kind = #tpu.reduction_kind<sum>} : vector<16xi1> -> vector<16xi32>
          %slice3A_378 = vector.extract_strided_slice %all_reduce_population_count3A_377 {offsets = [0], sizes = [1], strides = [1]} : vector<16xi32> to vector<1xi32>
          %squeeze3A_379 = vector.extract %slice3A_378[0] : i32 from vector<1xi32>
          %add3A_380 = arith.addi %scan3A_329, %squeeze3A_379 : i32
          %all_reduce_population_count3A_381 = tpu.all_reduce %or3A_361 {dim = 0 : i64, kind = #tpu.reduction_kind<sum>} : vector<16xi1> -> vector<16xi32>
          %slice3A_382 = vector.extract_strided_slice %all_reduce_population_count3A_381 {offsets = [0], sizes = [1], strides = [1]} : vector<16xi32> to vector<1xi32>
          %squeeze3A_383 = vector.extract %slice3A_382[0] : i32 from vector<1xi32>
          %add3A_384 = arith.addi %scan3A_330, %squeeze3A_383 : i32
          %scan3A_385 = arith.constant 1 : i32
          %scan3A_386 = arith.addi %scan3A_327, %scan3A_385 : i32
          %mul3A_387 = arith.constant 16 : i32
          %mul3A_388 = arith.muli %scan3A_386, %mul3A_387 : i32
          %add3A_389 = vector.broadcast %mul3A_388 : i32 to vector<16xi32>
          %add3A_390 = arith.addi %add3A_389, %iota3A : vector<16xi32>
          %mul3A_391 = arith.constant 16 : i32
          %mul3A_392 = arith.muli %scan3A_386, %mul3A_391 : i32
          %get3A_393 = arith.index_cast %mul3A_392 : i32 to index
          %get3A_394 = tpu.vector_load %arg8[%get3A_393] {strides = array<i32>} : memref<1040xf32, #tpu.memory_space<vmem>>, vector<16xf32>,
          %sub3A_395 = vector.broadcast %squeeze3A : f32 to vector<16xf32>
          %sub3A_396 = arith.subf %get3A_394, %sub3A_395 : vector<16xf32>
          %get3A_397 = arith.index_cast %mul3A_392 : i32 to index
          %get3A_398 = tpu.vector_load %arg9[%get3A_397] {strides = array<i32>} : memref<1040xf32, #tpu.memory_space<vmem>>, vector<16xf32>,
          %sub3A_399 = vector.broadcast %squeeze3A_56 : f32 to vector<16xf32>
          %sub3A_400 = arith.subf %get3A_398, %sub3A_399 : vector<16xf32>
          %get3A_401 = arith.index_cast %mul3A_392 : i32 to index
          %get3A_402 = tpu.vector_load %arg10[%get3A_401] {strides = array<i32>} : memref<1040xf32, #tpu.memory_space<vmem>>, vector<16xf32>,
          %sub3A_403 = vector.broadcast %squeeze3A_60 : f32 to vector<16xf32>
          %sub3A_404 = arith.subf %get3A_402, %sub3A_403 : vector<16xf32>
          %mul3A_405 = arith.mulf %sub3A_396, %sub3A_396 : vector<16xf32>
          %mul3A_406 = arith.mulf %sub3A_400, %sub3A_400 : vector<16xf32>
          %add3A_407 = arith.addf %mul3A_405, %mul3A_406 : vector<16xf32>
          %mul3A_408 = arith.mulf %sub3A_404, %sub3A_404 : vector<16xf32>
          %add3A_409 = arith.addf %add3A_407, %mul3A_408 : vector<16xf32>
          %eq3A_410 = vector.broadcast %squeeze3A_74 : i32 to vector<16xi32>
          %eq3A_411 = arith.cmpi eq, %add3A_390, %eq3A_410 : vector<16xi32>
          %gt3A_412 = vector.broadcast %scan3A_29 : f32 to vector<16xf32>
          %gt3A_413 = arith.cmpf ogt, %add3A_409, %gt3A_412 : vector<16xf32>
          %or3A_414 = arith.ori %gt3A_413, %eq3A_411 : vector<16xi1>
          %gt3A_415 = vector.broadcast %scan3A_30 : f32 to vector<16xf32>
          %gt3A_416 = arith.cmpf ogt, %add3A_409, %gt3A_415 : vector<16xf32>
          %or3A_417 = arith.ori %gt3A_416, %eq3A_411 : vector<16xi1>
          %gt3A_418 = vector.broadcast %scan3A : f32 to vector<16xf32>
          %gt3A_419 = arith.cmpf ogt, %add3A_409, %gt3A_418 : vector<16xf32>
          %or3A_420 = arith.ori %gt3A_419, %eq3A_411 : vector<16xi1>
          %min3A_421 = arith.constant 32 : i32
          %min3A_422 = arith.minsi %add3A_376, %min3A_421 : i32
          %swap3A_423 = arith.index_cast %min3A_422 : i32 to index
          %swap3A_424 = tpu.vector_load %arg17[%swap3A_423] masked %or3A_414 {strides = array<i32>} : memref<64xi32, #tpu.memory_space<vmem>>, vector<16xi32>, vector<16xi1>
          tpu.vector_store %arg17[%swap3A_423], %add3A_390 masked %or3A_414 {strides = array<i32>} : memref<64xi32, #tpu.memory_space<vmem>>, vector<16xi32>, vector<16xi1>
          %min3A_425 = arith.constant 32 : i32
          %min3A_426 = arith.minsi %add3A_380, %min3A_425 : i32
          %swap3A_427 = arith.index_cast %min3A_426 : i32 to index
          %swap3A_428 = tpu.vector_load %arg18[%swap3A_427] masked %or3A_417 {strides = array<i32>} : memref<64xi32, #tpu.memory_space<vmem>>, vector<16xi32>, vector<16xi1>
          tpu.vector_store %arg18[%swap3A_427], %add3A_390 masked %or3A_417 {strides = array<i32>} : memref<64xi32, #tpu.memory_space<vmem>>, vector<16xi32>, vector<16xi1>
          %min3A_429 = arith.constant 32 : i32
          %min3A_430 = arith.minsi %add3A_384, %min3A_429 : i32
          %swap3A_431 = arith.index_cast %min3A_430 : i32 to index
          %swap3A_432 = tpu.vector_load %arg19[%swap3A_431] masked %or3A_420 {strides = array<i32>} : memref<1040xi32, #tpu.memory_space<vmem>>, vector<16xi32>, vector<16xi1>
          tpu.vector_store %arg19[%swap3A_431], %add3A_390 masked %or3A_420 {strides = array<i32>} : memref<1040xi32, #tpu.memory_space<vmem>>, vector<16xi32>, vector<16xi1>
          %all_reduce_population_count3A_433 = tpu.all_reduce %or3A_414 {dim = 0 : i64, kind = #tpu.reduction_kind<sum>} : vector<16xi1> -> vector<16xi32>
          %slice3A_434 = vector.extract_strided_slice %all_reduce_population_count3A_433 {offsets = [0], sizes = [1], strides = [1]} : vector<16xi32> to vector<1xi32>
          %squeeze3A_435 = vector.extract %slice3A_434[0] : i32 from vector<1xi32>
          %add3A_436 = arith.addi %add3A_376, %squeeze3A_435 : i32
          %all_reduce_population_count3A_437 = tpu.all_reduce %or3A_417 {dim = 0 : i64, kind = #tpu.reduction_kind<sum>} : vector<16xi1> -> vector<16xi32>
          %slice3A_438 = vector.extract_strided_slice %all_reduce_population_count3A_437 {offsets = [0], sizes = [1], strides = [1]} : vector<16xi32> to vector<1xi32>
          %squeeze3A_439 = vector.extract %slice3A_438[0] : i32 from vector<1xi32>
          %add3A_440 = arith.addi %add3A_380, %squeeze3A_439 : i32
          %all_reduce_population_count3A_441 = tpu.all_reduce %or3A_420 {dim = 0 : i64, kind = #tpu.reduction_kind<sum>} : vector<16xi1> -> vector<16xi32>
          %slice3A_442 = vector.extract_strided_slice %all_reduce_population_count3A_441 {offsets = [0], sizes = [1], strides = [1]} : vector<16xi32> to vector<1xi32>
          %squeeze3A_443 = vector.extract %slice3A_442[0] : i32 from vector<1xi32>
          %add3A_444 = arith.addi %add3A_384, %squeeze3A_443 : i32
          scf.yield %add3A_436, %add3A_440, %add3A_444 : i32, i32, i32
        }
        %scan3A_175 = arith.constant 4 : i32
        %mul3A_176 = arith.constant 288 : i32
        %mul3A_177 = arith.muli %scan3A_45, %mul3A_176 : i32
        %get3A_178 = arith.constant 0 : index
        %get3A_179 = tpu.vector_load %arg17[%get3A_178] {strides = array<i32>} : memref<64xi32, #tpu.memory_space<vmem>>, vector<16xi32>,
        %add3A_180 = arith.constant 0 : i32
        %add3A_181 = vector.broadcast %add3A_180 : i32 to vector<16xi32>
        %add3A_182 = arith.addi %iota3A, %add3A_181 : vector<16xi32>
        %mul3A_183 = arith.constant 9 : i32
        %mul3A_184 = vector.broadcast %mul3A_183 : i32 to vector<16xi32>
        %mul3A_185 = arith.muli %mul3A_184, %add3A_182 : vector<16xi32>
        %add3A_186 = vector.broadcast %mul3A_177 : i32 to vector<16xi32>
        %add3A_187 = arith.addi %add3A_186, %mul3A_185 : vector<16xi32>
        %add3A_188 = arith.constant 0 : i32
        %add3A_189 = vector.broadcast %add3A_188 : i32 to vector<16xi32>
        %add3A_190 = arith.addi %add3A_187, %add3A_189 : vector<16xi32>
        %gather3A = tpu.vector_load_idx %arg8[%get3A_179] : memref<1040xf32, #tpu.memory_space<vmem>>[vector<16xi32>], vector<16xf32>,
        %add3A_191 = arith.constant 0 : i32
        %add3A_192 = vector.broadcast %add3A_191 : i32 to vector<16xi32>
        %add3A_193 = arith.addi %add3A_190, %add3A_192 : vector<16xi32>
        tpu.vector_store_idx %arg14[%add3A_193], %gather3A : memref<4608xf32, #tpu.memory_space<vmem>>[vector<16xi32>], vector<16xf32>,
        %gather3A_194 = tpu.vector_load_idx %arg9[%get3A_179] : memref<1040xf32, #tpu.memory_space<vmem>>[vector<16xi32>], vector<16xf32>,
        %add3A_195 = arith.constant 1 : i32
        %add3A_196 = vector.broadcast %add3A_195 : i32 to vector<16xi32>
        %add3A_197 = arith.addi %add3A_190, %add3A_196 : vector<16xi32>
        tpu.vector_store_idx %arg14[%add3A_197], %gather3A_194 : memref<4608xf32, #tpu.memory_space<vmem>>[vector<16xi32>], vector<16xf32>,
        %gather3A_198 = tpu.vector_load_idx %arg10[%get3A_179] : memref<1040xf32, #tpu.memory_space<vmem>>[vector<16xi32>], vector<16xf32>,
        %add3A_199 = arith.constant 2 : i32
        %add3A_200 = vector.broadcast %add3A_199 : i32 to vector<16xi32>
        %add3A_201 = arith.addi %add3A_190, %add3A_200 : vector<16xi32>
        tpu.vector_store_idx %arg14[%add3A_201], %gather3A_198 : memref<4608xf32, #tpu.memory_space<vmem>>[vector<16xi32>], vector<16xf32>,
        %get3A_202 = arith.constant 16 : index
        %get3A_203 = tpu.vector_load %arg17[%get3A_202] {strides = array<i32>} : memref<64xi32, #tpu.memory_space<vmem>>, vector<16xi32>,
        %add3A_204 = arith.constant 16 : i32
        %add3A_205 = vector.broadcast %add3A_204 : i32 to vector<16xi32>
        %add3A_206 = arith.addi %iota3A, %add3A_205 : vector<16xi32>
        %mul3A_207 = arith.constant 9 : i32
        %mul3A_208 = vector.broadcast %mul3A_207 : i32 to vector<16xi32>
        %mul3A_209 = arith.muli %mul3A_208, %add3A_206 : vector<16xi32>
        %add3A_210 = vector.broadcast %mul3A_177 : i32 to vector<16xi32>
        %add3A_211 = arith.addi %add3A_210, %mul3A_209 : vector<16xi32>
        %add3A_212 = arith.constant 0 : i32
        %add3A_213 = vector.broadcast %add3A_212 : i32 to vector<16xi32>
        %add3A_214 = arith.addi %add3A_211, %add3A_213 : vector<16xi32>
        %gather3A_215 = tpu.vector_load_idx %arg8[%get3A_203] : memref<1040xf32, #tpu.memory_space<vmem>>[vector<16xi32>], vector<16xf32>,
        %add3A_216 = arith.constant 0 : i32
        %add3A_217 = vector.broadcast %add3A_216 : i32 to vector<16xi32>
        %add3A_218 = arith.addi %add3A_214, %add3A_217 : vector<16xi32>
        tpu.vector_store_idx %arg14[%add3A_218], %gather3A_215 : memref<4608xf32, #tpu.memory_space<vmem>>[vector<16xi32>], vector<16xf32>,
        %gather3A_219 = tpu.vector_load_idx %arg9[%get3A_203] : memref<1040xf32, #tpu.memory_space<vmem>>[vector<16xi32>], vector<16xf32>,
        %add3A_220 = arith.constant 1 : i32
        %add3A_221 = vector.broadcast %add3A_220 : i32 to vector<16xi32>
        %add3A_222 = arith.addi %add3A_214, %add3A_221 : vector<16xi32>
        tpu.vector_store_idx %arg14[%add3A_222], %gather3A_219 : memref<4608xf32, #tpu.memory_space<vmem>>[vector<16xi32>], vector<16xf32>,
        %gather3A_223 = tpu.vector_load_idx %arg10[%get3A_203] : memref<1040xf32, #tpu.memory_space<vmem>>[vector<16xi32>], vector<16xf32>,
        %add3A_224 = arith.constant 2 : i32
        %add3A_225 = vector.broadcast %add3A_224 : i32 to vector<16xi32>
        %add3A_226 = arith.addi %add3A_214, %add3A_225 : vector<16xi32>
        tpu.vector_store_idx %arg14[%add3A_226], %gather3A_223 : memref<4608xf32, #tpu.memory_space<vmem>>[vector<16xi32>], vector<16xf32>,
        %get3A_227 = arith.constant 0 : index
        %get3A_228 = tpu.vector_load %arg18[%get3A_227] {strides = array<i32>} : memref<64xi32, #tpu.memory_space<vmem>>, vector<16xi32>,
        %add3A_229 = arith.constant 0 : i32
        %add3A_230 = vector.broadcast %add3A_229 : i32 to vector<16xi32>
        %add3A_231 = arith.addi %iota3A, %add3A_230 : vector<16xi32>
        %mul3A_232 = arith.constant 9 : i32
        %mul3A_233 = vector.broadcast %mul3A_232 : i32 to vector<16xi32>
        %mul3A_234 = arith.muli %mul3A_233, %add3A_231 : vector<16xi32>
        %add3A_235 = vector.broadcast %mul3A_177 : i32 to vector<16xi32>
        %add3A_236 = arith.addi %add3A_235, %mul3A_234 : vector<16xi32>
        %add3A_237 = arith.constant 3 : i32
        %add3A_238 = vector.broadcast %add3A_237 : i32 to vector<16xi32>
        %add3A_239 = arith.addi %add3A_236, %add3A_238 : vector<16xi32>
        %gather3A_240 = tpu.vector_load_idx %arg8[%get3A_228] : memref<1040xf32, #tpu.memory_space<vmem>>[vector<16xi32>], vector<16xf32>,
        %add3A_241 = arith.constant 0 : i32
        %add3A_242 = vector.broadcast %add3A_241 : i32 to vector<16xi32>
        %add3A_243 = arith.addi %add3A_239, %add3A_242 : vector<16xi32>
        tpu.vector_store_idx %arg14[%add3A_243], %gather3A_240 : memref<4608xf32, #tpu.memory_space<vmem>>[vector<16xi32>], vector<16xf32>,
        %gather3A_244 = tpu.vector_load_idx %arg9[%get3A_228] : memref<1040xf32, #tpu.memory_space<vmem>>[vector<16xi32>], vector<16xf32>,
        %add3A_245 = arith.constant 1 : i32
        %add3A_246 = vector.broadcast %add3A_245 : i32 to vector<16xi32>
        %add3A_247 = arith.addi %add3A_239, %add3A_246 : vector<16xi32>
        tpu.vector_store_idx %arg14[%add3A_247], %gather3A_244 : memref<4608xf32, #tpu.memory_space<vmem>>[vector<16xi32>], vector<16xf32>,
        %gather3A_248 = tpu.vector_load_idx %arg10[%get3A_228] : memref<1040xf32, #tpu.memory_space<vmem>>[vector<16xi32>], vector<16xf32>,
        %add3A_249 = arith.constant 2 : i32
        %add3A_250 = vector.broadcast %add3A_249 : i32 to vector<16xi32>
        %add3A_251 = arith.addi %add3A_239, %add3A_250 : vector<16xi32>
        tpu.vector_store_idx %arg14[%add3A_251], %gather3A_248 : memref<4608xf32, #tpu.memory_space<vmem>>[vector<16xi32>], vector<16xf32>,
        %get3A_252 = arith.constant 16 : index
        %get3A_253 = tpu.vector_load %arg18[%get3A_252] {strides = array<i32>} : memref<64xi32, #tpu.memory_space<vmem>>, vector<16xi32>,
        %add3A_254 = arith.constant 16 : i32
        %add3A_255 = vector.broadcast %add3A_254 : i32 to vector<16xi32>
        %add3A_256 = arith.addi %iota3A, %add3A_255 : vector<16xi32>
        %mul3A_257 = arith.constant 9 : i32
        %mul3A_258 = vector.broadcast %mul3A_257 : i32 to vector<16xi32>
        %mul3A_259 = arith.muli %mul3A_258, %add3A_256 : vector<16xi32>
        %add3A_260 = vector.broadcast %mul3A_177 : i32 to vector<16xi32>
        %add3A_261 = arith.addi %add3A_260, %mul3A_259 : vector<16xi32>
        %add3A_262 = arith.constant 3 : i32
        %add3A_263 = vector.broadcast %add3A_262 : i32 to vector<16xi32>
        %add3A_264 = arith.addi %add3A_261, %add3A_263 : vector<16xi32>
        %gather3A_265 = tpu.vector_load_idx %arg8[%get3A_253] : memref<1040xf32, #tpu.memory_space<vmem>>[vector<16xi32>], vector<16xf32>,
        %add3A_266 = arith.constant 0 : i32
        %add3A_267 = vector.broadcast %add3A_266 : i32 to vector<16xi32>
        %add3A_268 = arith.addi %add3A_264, %add3A_267 : vector<16xi32>
        tpu.vector_store_idx %arg14[%add3A_268], %gather3A_265 : memref<4608xf32, #tpu.memory_space<vmem>>[vector<16xi32>], vector<16xf32>,
        %gather3A_269 = tpu.vector_load_idx %arg9[%get3A_253] : memref<1040xf32, #tpu.memory_space<vmem>>[vector<16xi32>], vector<16xf32>,
        %add3A_270 = arith.constant 1 : i32
        %add3A_271 = vector.broadcast %add3A_270 : i32 to vector<16xi32>
        %add3A_272 = arith.addi %add3A_264, %add3A_271 : vector<16xi32>
        tpu.vector_store_idx %arg14[%add3A_272], %gather3A_269 : memref<4608xf32, #tpu.memory_space<vmem>>[vector<16xi32>], vector<16xf32>,
        %gather3A_273 = tpu.vector_load_idx %arg10[%get3A_253] : memref<1040xf32, #tpu.memory_space<vmem>>[vector<16xi32>], vector<16xf32>,
        %add3A_274 = arith.constant 2 : i32
        %add3A_275 = vector.broadcast %add3A_274 : i32 to vector<16xi32>
        %add3A_276 = arith.addi %add3A_264, %add3A_275 : vector<16xi32>
        tpu.vector_store_idx %arg14[%add3A_276], %gather3A_273 : memref<4608xf32, #tpu.memory_space<vmem>>[vector<16xi32>], vector<16xf32>,
        %get3A_277 = arith.constant 0 : index
        %get3A_278 = tpu.vector_load %arg19[%get3A_277] {strides = array<i32>} : memref<1040xi32, #tpu.memory_space<vmem>>, vector<16xi32>,
        %add3A_279 = arith.constant 0 : i32
        %add3A_280 = vector.broadcast %add3A_279 : i32 to vector<16xi32>
        %add3A_281 = arith.addi %iota3A, %add3A_280 : vector<16xi32>
        %mul3A_282 = arith.constant 9 : i32
        %mul3A_283 = vector.broadcast %mul3A_282 : i32 to vector<16xi32>
        %mul3A_284 = arith.muli %mul3A_283, %add3A_281 : vector<16xi32>
        %add3A_285 = vector.broadcast %mul3A_177 : i32 to vector<16xi32>
        %add3A_286 = arith.addi %add3A_285, %mul3A_284 : vector<16xi32>
        %add3A_287 = arith.constant 6 : i32
        %add3A_288 = vector.broadcast %add3A_287 : i32 to vector<16xi32>
        %add3A_289 = arith.addi %add3A_286, %add3A_288 : vector<16xi32>
        %gather3A_290 = tpu.vector_load_idx %arg8[%get3A_278] : memref<1040xf32, #tpu.memory_space<vmem>>[vector<16xi32>], vector<16xf32>,
        %add3A_291 = arith.constant 0 : i32
        %add3A_292 = vector.broadcast %add3A_291 : i32 to vector<16xi32>
        %add3A_293 = arith.addi %add3A_289, %add3A_292 : vector<16xi32>
        tpu.vector_store_idx %arg14[%add3A_293], %gather3A_290 : memref<4608xf32, #tpu.memory_space<vmem>>[vector<16xi32>], vector<16xf32>,
        %gather3A_294 = tpu.vector_load_idx %arg9[%get3A_278] : memref<1040xf32, #tpu.memory_space<vmem>>[vector<16xi32>], vector<16xf32>,
        %add3A_295 = arith.constant 1 : i32
        %add3A_296 = vector.broadcast %add3A_295 : i32 to vector<16xi32>
        %add3A_297 = arith.addi %add3A_289, %add3A_296 : vector<16xi32>
        tpu.vector_store_idx %arg14[%add3A_297], %gather3A_294 : memref<4608xf32, #tpu.memory_space<vmem>>[vector<16xi32>], vector<16xf32>,
        %gather3A_298 = tpu.vector_load_idx %arg10[%get3A_278] : memref<1040xf32, #tpu.memory_space<vmem>>[vector<16xi32>], vector<16xf32>,
        %add3A_299 = arith.constant 2 : i32
        %add3A_300 = vector.broadcast %add3A_299 : i32 to vector<16xi32>
        %add3A_301 = arith.addi %add3A_289, %add3A_300 : vector<16xi32>
        tpu.vector_store_idx %arg14[%add3A_301], %gather3A_298 : memref<4608xf32, #tpu.memory_space<vmem>>[vector<16xi32>], vector<16xf32>,
        %get3A_302 = arith.constant 16 : index
        %get3A_303 = tpu.vector_load %arg19[%get3A_302] {strides = array<i32>} : memref<1040xi32, #tpu.memory_space<vmem>>, vector<16xi32>,
        %add3A_304 = arith.constant 16 : i32
        %add3A_305 = vector.broadcast %add3A_304 : i32 to vector<16xi32>
        %add3A_306 = arith.addi %iota3A, %add3A_305 : vector<16xi32>
        %mul3A_307 = arith.constant 9 : i32
        %mul3A_308 = vector.broadcast %mul3A_307 : i32 to vector<16xi32>
        %mul3A_309 = arith.muli %mul3A_308, %add3A_306 : vector<16xi32>
        %add3A_310 = vector.broadcast %mul3A_177 : i32 to vector<16xi32>
        %add3A_311 = arith.addi %add3A_310, %mul3A_309 : vector<16xi32>
        %add3A_312 = arith.constant 6 : i32
        %add3A_313 = vector.broadcast %add3A_312 : i32 to vector<16xi32>
        %add3A_314 = arith.addi %add3A_311, %add3A_313 : vector<16xi32>
        %gather3A_315 = tpu.vector_load_idx %arg8[%get3A_303] : memref<1040xf32, #tpu.memory_space<vmem>>[vector<16xi32>], vector<16xf32>,
        %add3A_316 = arith.constant 0 : i32
        %add3A_317 = vector.broadcast %add3A_316 : i32 to vector<16xi32>
        %add3A_318 = arith.addi %add3A_314, %add3A_317 : vector<16xi32>
        tpu.vector_store_idx %arg14[%add3A_318], %gather3A_315 : memref<4608xf32, #tpu.memory_space<vmem>>[vector<16xi32>], vector<16xf32>,
        %gather3A_319 = tpu.vector_load_idx %arg9[%get3A_303] : memref<1040xf32, #tpu.memory_space<vmem>>[vector<16xi32>], vector<16xf32>,
        %add3A_320 = arith.constant 1 : i32
        %add3A_321 = vector.broadcast %add3A_320 : i32 to vector<16xi32>
        %add3A_322 = arith.addi %add3A_314, %add3A_321 : vector<16xi32>
        tpu.vector_store_idx %arg14[%add3A_322], %gather3A_319 : memref<4608xf32, #tpu.memory_space<vmem>>[vector<16xi32>], vector<16xf32>,
        %gather3A_323 = tpu.vector_load_idx %arg10[%get3A_303] : memref<1040xf32, #tpu.memory_space<vmem>>[vector<16xi32>], vector<16xf32>,
        %add3A_324 = arith.constant 2 : i32
        %add3A_325 = vector.broadcast %add3A_324 : i32 to vector<16xi32>
        %add3A_326 = arith.addi %add3A_314, %add3A_325 : vector<16xi32>
        tpu.vector_store_idx %arg14[%add3A_326], %gather3A_323 : memref<4608xf32, #tpu.memory_space<vmem>>[vector<16xi32>], vector<16xf32>,
      }
      %scan3A_44 = arith.constant 16 : i32
      "tpu.region"() ({
        %run_scoped3A = tpu.sem_alloc : memref<!tpu.dma_semaphore, #tpu.memory_space<semaphore_mem>>
        %dma_start3A = arith.constant 0 : i32
        %dma_start3A_45 = tpu.memref_slice %arg7[%add3A_39, %dma_start3A] : memref<512x4608xf32, #tpu.memory_space<hbm>> -> memref<1x4608xf32, #tpu.memory_space<hbm>>
        %dma_start3A_46 = tpu.memref_squeeze %dma_start3A_45 : memref<1x4608xf32, #tpu.memory_space<hbm>> -> memref<4608xf32, #tpu.memory_space<hbm>>
        %dma_start3A_47 = arith.constant 0 : i32
        %dma_start3A_48 = tpu.memref_slice %arg7[%add3A_39, %dma_start3A_47] : memref<512x4608xf32, #tpu.memory_space<hbm>> -> memref<1x4608xf32, #tpu.memory_space<hbm>>
        %dma_start3A_49 = tpu.memref_squeeze %dma_start3A_48 : memref<1x4608xf32, #tpu.memory_space<hbm>> -> memref<4608xf32, #tpu.memory_space<hbm>>
        tpu.enqueue_dma source(%arg14 : memref<4608xf32, #tpu.memory_space<vmem>>) target(%dma_start3A_49 : memref<4608xf32, #tpu.memory_space<hbm>>) target_semaphore(%run_scoped3A : memref<!tpu.dma_semaphore, #tpu.memory_space<semaphore_mem>>)
        %dma_wait3A = arith.constant 0 : i32
        %dma_wait3A_50 = tpu.memref_slice %arg7[%add3A_39, %dma_wait3A] : memref<512x4608xf32, #tpu.memory_space<hbm>> -> memref<1x4608xf32, #tpu.memory_space<hbm>>
        %dma_wait3A_51 = tpu.memref_squeeze %dma_wait3A_50 : memref<1x4608xf32, #tpu.memory_space<hbm>> -> memref<4608xf32, #tpu.memory_space<hbm>>
        %dma_wait3A_52 = arith.constant 0 : i32
        %dma_wait3A_53 = tpu.memref_slice %arg7[%add3A_39, %dma_wait3A_52] : memref<512x4608xf32, #tpu.memory_space<hbm>> -> memref<1x4608xf32, #tpu.memory_space<hbm>>
        %dma_wait3A_54 = tpu.memref_squeeze %dma_wait3A_53 : memref<1x4608xf32, #tpu.memory_space<hbm>> -> memref<4608xf32, #tpu.memory_space<hbm>>
        tpu.wait_dma2 semaphore(%run_scoped3A : memref<!tpu.dma_semaphore, #tpu.memory_space<semaphore_mem>>) src(%arg14 : memref<4608xf32, #tpu.memory_space<vmem>>) dst(%dma_wait3A_54 : memref<4608xf32, #tpu.memory_space<hbm>>)
        tpu.yield
      }) : () -> ()
    }
    %scan3A_35 = arith.constant 16 : i32
    return
  }
}

module attributes {stable_mosaic.version = 14 : i64} {
  func.func @_tnet_body(%arg0: i32, %arg1: memref<1x1024x3xf32, #tpu.memory_space<vmem>>, %arg2: memref<3x64xf32, #tpu.memory_space<vmem>>, %arg3: memref<1x64xf32, #tpu.memory_space<vmem>>, %arg4: memref<1x64xf32, #tpu.memory_space<vmem>>, %arg5: memref<1x64xf32, #tpu.memory_space<vmem>>, %arg6: memref<64x64xf32, #tpu.memory_space<vmem>>, %arg7: memref<1x64xf32, #tpu.memory_space<vmem>>, %arg8: memref<1x64xf32, #tpu.memory_space<vmem>>, %arg9: memref<1x64xf32, #tpu.memory_space<vmem>>, %arg10: memref<64x9xf32, #tpu.memory_space<vmem>>, %arg11: memref<1x9xf32, #tpu.memory_space<vmem>>, %arg12: memref<1x1024x3xf32, #tpu.memory_space<vmem>>) attributes {dimension_semantics = [#tpu.dimension_semantics<arbitrary>], iteration_bounds = array<i64: 8>, scalar_prefetch = 0 : i64, scratch_operands = 0 : i64, tpu.core_type = #tpu.core_type<tc>, window_params = [{transform_indices = @transform_0, window_bounds = array<i64: 1, 1024, 3>}, {pipeline_mode = #tpu.pipeline_mode<synchronous>, transform_indices = @transform_1, window_bounds = array<i64: 3, 64>}, {pipeline_mode = #tpu.pipeline_mode<synchronous>, transform_indices = @transform_2, window_bounds = array<i64: 1, 64>}, {pipeline_mode = #tpu.pipeline_mode<synchronous>, transform_indices = @transform_3, window_bounds = array<i64: 1, 64>}, {pipeline_mode = #tpu.pipeline_mode<synchronous>, transform_indices = @transform_4, window_bounds = array<i64: 1, 64>}, {pipeline_mode = #tpu.pipeline_mode<synchronous>, transform_indices = @transform_5, window_bounds = array<i64: 64, 64>}, {pipeline_mode = #tpu.pipeline_mode<synchronous>, transform_indices = @transform_6, window_bounds = array<i64: 1, 64>}, {pipeline_mode = #tpu.pipeline_mode<synchronous>, transform_indices = @transform_7, window_bounds = array<i64: 1, 64>}, {pipeline_mode = #tpu.pipeline_mode<synchronous>, transform_indices = @transform_8, window_bounds = array<i64: 1, 64>}, {pipeline_mode = #tpu.pipeline_mode<synchronous>, transform_indices = @transform_9, window_bounds = array<i64: 64, 9>}, {pipeline_mode = #tpu.pipeline_mode<synchronous>, transform_indices = @transform_10, window_bounds = array<i64: 1, 9>}, {transform_indices = @transform_11, window_bounds = array<i64: 1, 1024, 3>}]} {
    %get3A = arith.constant 0 : index
    %get3A_0 = arith.constant 0 : index
    %get3A_1 = arith.constant 0 : index
    %get3A_2 = vector.load %arg1[%get3A, %get3A_0, %get3A_1] : memref<1x1024x3xf32, #tpu.memory_space<vmem>>, vector<1x1024x3xf32>
    %get3A_3 = vector.shape_cast %get3A_2 : vector<1x1024x3xf32> to vector<1024x3xf32>
    %get3A_4 = arith.constant 0 : index
    %get3A_5 = arith.constant 0 : index
    %get3A_6 = vector.load %arg2[%get3A_4, %get3A_5] : memref<3x64xf32, #tpu.memory_space<vmem>>, vector<3x64xf32>
    %dot_general3A = arith.constant dense<0.000000e+00> : vector<1024x64xf32>
    %dot_general3A_7 = tpu.matmul %get3A_3, %get3A_6, %dot_general3A {dimension_numbers = #tpu.dot_dimension_numbers<[1], [0], [0], [1], [0, 0, 1, 1], [], []>, transpose_lhs_hint = false} : vector<1024x3xf32>, vector<3x64xf32>, vector<1024x64xf32> -> vector<1024x64xf32>
    %get3A_8 = arith.constant 0 : index
    %get3A_9 = arith.constant 0 : index
    %get3A_10 = vector.load %arg3[%get3A_8, %get3A_9] : memref<1x64xf32, #tpu.memory_space<vmem>>, vector<1x64xf32>
    %add3A = vector.broadcast %get3A_10 : vector<1x64xf32> to vector<1024x64xf32>
    %add3A_11 = arith.addf %dot_general3A_7, %add3A : vector<1024x64xf32>
    %get3A_12 = arith.constant 0 : index
    %get3A_13 = arith.constant 0 : index
    %get3A_14 = vector.load %arg4[%get3A_12, %get3A_13] : memref<1x64xf32, #tpu.memory_space<vmem>>, vector<1x64xf32>
    %mul3A = vector.broadcast %get3A_14 : vector<1x64xf32> to vector<1024x64xf32>
    %mul3A_15 = arith.mulf %mul3A, %add3A_11 : vector<1024x64xf32>
    %mul3A_16 = arith.constant 0.999500393 : f32
    %mul3A_17 = vector.broadcast %mul3A_16 : f32 to vector<1024x64xf32>
    %mul3A_18 = arith.mulf %mul3A_15, %mul3A_17 : vector<1024x64xf32>
    %get3A_19 = arith.constant 0 : index
    %get3A_20 = arith.constant 0 : index
    %get3A_21 = vector.load %arg5[%get3A_19, %get3A_20] : memref<1x64xf32, #tpu.memory_space<vmem>>, vector<1x64xf32>
    %add3A_22 = vector.broadcast %get3A_21 : vector<1x64xf32> to vector<1024x64xf32>
    %add3A_23 = arith.addf %mul3A_18, %add3A_22 : vector<1024x64xf32>
    %max3A = arith.constant 0.000000e+00 : f32
    %max3A_24 = vector.broadcast %max3A : f32 to vector<1024x64xf32>
    %max3A_25 = arith.maximumf %add3A_23, %max3A_24 : vector<1024x64xf32>
    %reduce_max3A = arith.constant dense<0xFF800000> : vector<64xf32>
    %reduce_max3A_26 = vector.multi_reduction <maximumf>, %max3A_25, %reduce_max3A [0] : vector<1024x64xf32> to vector<64xf32>
    %broadcast_in_dim3A = vector.shape_cast %reduce_max3A_26 : vector<64xf32> to vector<1x64xf32>
    %get3A_27 = arith.constant 0 : index
    %get3A_28 = arith.constant 0 : index
    %get3A_29 = vector.load %arg6[%get3A_27, %get3A_28] : memref<64x64xf32, #tpu.memory_space<vmem>>, vector<64x64xf32>
    %dot_general3A_30 = arith.constant dense<0.000000e+00> : vector<1x64xf32>
    %dot_general3A_31 = tpu.matmul %broadcast_in_dim3A, %get3A_29, %dot_general3A_30 {dimension_numbers = #tpu.dot_dimension_numbers<[1], [0], [0], [1], [0, 0, 1, 1], [], []>, transpose_lhs_hint = false} : vector<1x64xf32>, vector<64x64xf32>, vector<1x64xf32> -> vector<1x64xf32>
    %get3A_32 = arith.constant 0 : index
    %get3A_33 = arith.constant 0 : index
    %get3A_34 = vector.load %arg7[%get3A_32, %get3A_33] : memref<1x64xf32, #tpu.memory_space<vmem>>, vector<1x64xf32>
    %add3A_35 = arith.addf %dot_general3A_31, %get3A_34 : vector<1x64xf32>
    %get3A_36 = arith.constant 0 : index
    %get3A_37 = arith.constant 0 : index
    %get3A_38 = vector.load %arg8[%get3A_36, %get3A_37] : memref<1x64xf32, #tpu.memory_space<vmem>>, vector<1x64xf32>
    %mul3A_39 = arith.mulf %get3A_38, %add3A_35 : vector<1x64xf32>
    %mul3A_40 = arith.constant 0.999500393 : f32
    %mul3A_41 = vector.broadcast %mul3A_40 : f32 to vector<1x64xf32>
    %mul3A_42 = arith.mulf %mul3A_39, %mul3A_41 : vector<1x64xf32>
    %get3A_43 = arith.constant 0 : index
    %get3A_44 = arith.constant 0 : index
    %get3A_45 = vector.load %arg9[%get3A_43, %get3A_44] : memref<1x64xf32, #tpu.memory_space<vmem>>, vector<1x64xf32>
    %add3A_46 = arith.addf %mul3A_42, %get3A_45 : vector<1x64xf32>
    %max3A_47 = arith.constant 0.000000e+00 : f32
    %max3A_48 = vector.broadcast %max3A_47 : f32 to vector<1x64xf32>
    %max3A_49 = arith.maximumf %add3A_46, %max3A_48 : vector<1x64xf32>
    %get3A_50 = arith.constant 0 : index
    %get3A_51 = arith.constant 0 : index
    %get3A_52 = vector.load %arg10[%get3A_50, %get3A_51] : memref<64x9xf32, #tpu.memory_space<vmem>>, vector<64x9xf32>
    %dot_general3A_53 = arith.constant dense<0.000000e+00> : vector<1x9xf32>
    %dot_general3A_54 = tpu.matmul %max3A_49, %get3A_52, %dot_general3A_53 {dimension_numbers = #tpu.dot_dimension_numbers<[1], [0], [0], [1], [0, 0, 1, 1], [], []>, transpose_lhs_hint = false} : vector<1x64xf32>, vector<64x9xf32>, vector<1x9xf32> -> vector<1x9xf32>
    %get3A_55 = arith.constant 0 : index
    %get3A_56 = arith.constant 0 : index
    %get3A_57 = vector.load %arg11[%get3A_55, %get3A_56] : memref<1x9xf32, #tpu.memory_space<vmem>>, vector<1x9xf32>
    %add3A_58 = arith.addf %dot_general3A_54, %get3A_57 : vector<1x9xf32>
    %slice3A = vector.extract_strided_slice %add3A_58 {offsets = [0, 0], sizes = [1, 3], strides = [1, 1]} : vector<1x9xf32> to vector<1x3xf32>
    %slice3A_59 = vector.extract_strided_slice %add3A_58 {offsets = [0, 3], sizes = [1, 3], strides = [1, 1]} : vector<1x9xf32> to vector<1x3xf32>
    %slice3A_60 = vector.extract_strided_slice %add3A_58 {offsets = [0, 6], sizes = [1, 3], strides = [1, 1]} : vector<1x9xf32> to vector<1x3xf32>
    %concatenate3A = tpu.concatenate %slice3A, %slice3A_59, %slice3A_60 in 0 : vector<1x3xf32>, vector<1x3xf32>, vector<1x3xf32> -> vector<3x3xf32>
    %dot_general3A_61 = arith.constant dense<0.000000e+00> : vector<1024x3xf32>
    %dot_general3A_62 = tpu.matmul %get3A_3, %concatenate3A, %dot_general3A_61 {dimension_numbers = #tpu.dot_dimension_numbers<[1], [0], [0], [1], [0, 0, 1, 1], [], []>, transpose_lhs_hint = false} : vector<1024x3xf32>, vector<3x3xf32>, vector<1024x3xf32> -> vector<1024x3xf32>
    %swap3A = arith.constant 0 : index
    %swap3A_63 = arith.constant 0 : index
    %swap3A_64 = arith.constant 0 : index
    %swap3A_65 = vector.load %arg12[%swap3A, %swap3A_63, %swap3A_64] : memref<1x1024x3xf32, #tpu.memory_space<vmem>>, vector<1x1024x3xf32>
    %swap3A_66 = vector.shape_cast %swap3A_65 : vector<1x1024x3xf32> to vector<1024x3xf32>
    %swap3A_67 = vector.shape_cast %dot_general3A_62 : vector<1024x3xf32> to vector<1x1024x3xf32>
    tpu.vector_store %arg12[%swap3A, %swap3A_63, %swap3A_64], %swap3A_67 {strides = array<i32>} : memref<1x1024x3xf32, #tpu.memory_space<vmem>>, vector<1x1024x3xf32>,
    return
  }
  func.func @transform_0(%arg0: i32) -> (i32, i32, i32) {
    %c0_i32 = arith.constant 0 : i32
    %c0_i32_0 = arith.constant 0 : i32
    %c0_i32_1 = arith.constant 0 : i32
    return %arg0, %c0_i32, %c0_i32_0 : i32, i32, i32
  }
  func.func @transform_1(%arg0: i32) -> (i32, i32) {
    %c0_i32 = arith.constant 0 : i32
    %c0_i32_0 = arith.constant 0 : i32
    %c0_i32_1 = arith.constant 0 : i32
    return %c0_i32, %c0_i32_0 : i32, i32
  }
  func.func @transform_2(%arg0: i32) -> (i32, i32) {
    %c0_i32 = arith.constant 0 : i32
    %c0_i32_0 = arith.constant 0 : i32
    %c0_i32_1 = arith.constant 0 : i32
    return %c0_i32, %c0_i32_0 : i32, i32
  }
  func.func @transform_3(%arg0: i32) -> (i32, i32) {
    %c0_i32 = arith.constant 0 : i32
    %c0_i32_0 = arith.constant 0 : i32
    %c0_i32_1 = arith.constant 0 : i32
    return %c0_i32, %c0_i32_0 : i32, i32
  }
  func.func @transform_4(%arg0: i32) -> (i32, i32) {
    %c0_i32 = arith.constant 0 : i32
    %c0_i32_0 = arith.constant 0 : i32
    %c0_i32_1 = arith.constant 0 : i32
    return %c0_i32, %c0_i32_0 : i32, i32
  }
  func.func @transform_5(%arg0: i32) -> (i32, i32) {
    %c0_i32 = arith.constant 0 : i32
    %c0_i32_0 = arith.constant 0 : i32
    %c0_i32_1 = arith.constant 0 : i32
    return %c0_i32, %c0_i32_0 : i32, i32
  }
  func.func @transform_6(%arg0: i32) -> (i32, i32) {
    %c0_i32 = arith.constant 0 : i32
    %c0_i32_0 = arith.constant 0 : i32
    %c0_i32_1 = arith.constant 0 : i32
    return %c0_i32, %c0_i32_0 : i32, i32
  }
  func.func @transform_7(%arg0: i32) -> (i32, i32) {
    %c0_i32 = arith.constant 0 : i32
    %c0_i32_0 = arith.constant 0 : i32
    %c0_i32_1 = arith.constant 0 : i32
    return %c0_i32, %c0_i32_0 : i32, i32
  }
  func.func @transform_8(%arg0: i32) -> (i32, i32) {
    %c0_i32 = arith.constant 0 : i32
    %c0_i32_0 = arith.constant 0 : i32
    %c0_i32_1 = arith.constant 0 : i32
    return %c0_i32, %c0_i32_0 : i32, i32
  }
  func.func @transform_9(%arg0: i32) -> (i32, i32) {
    %c0_i32 = arith.constant 0 : i32
    %c0_i32_0 = arith.constant 0 : i32
    %c0_i32_1 = arith.constant 0 : i32
    return %c0_i32, %c0_i32_0 : i32, i32
  }
  func.func @transform_10(%arg0: i32) -> (i32, i32) {
    %c0_i32 = arith.constant 0 : i32
    %c0_i32_0 = arith.constant 0 : i32
    %c0_i32_1 = arith.constant 0 : i32
    return %c0_i32, %c0_i32_0 : i32, i32
  }
  func.func @transform_11(%arg0: i32) -> (i32, i32, i32) {
    %c0_i32 = arith.constant 0 : i32
    %c0_i32_0 = arith.constant 0 : i32
    %c0_i32_1 = arith.constant 0 : i32
    return %arg0, %c0_i32, %c0_i32_0 : i32, i32, i32
  }
}

module attributes {stable_mosaic.version = 14 : i64} {
  func.func @_stack_body(%arg0: i32, %arg1: i32, %arg2: memref<1x256x288xf32, #tpu.memory_space<vmem>>, %arg3: memref<288x512xf32, #tpu.memory_space<vmem>>, %arg4: memref<1x512xf32, #tpu.memory_space<vmem>>, %arg5: memref<1x512xf32, #tpu.memory_space<vmem>>, %arg6: memref<1x512xf32, #tpu.memory_space<vmem>>, %arg7: memref<512x512xf32, #tpu.memory_space<vmem>>, %arg8: memref<1x512xf32, #tpu.memory_space<vmem>>, %arg9: memref<512x512xf32, #tpu.memory_space<vmem>>, %arg10: memref<1x512xf32, #tpu.memory_space<vmem>>, %arg11: memref<1x512xf32, #tpu.memory_space<vmem>>, %arg12: memref<1x512xf32, #tpu.memory_space<vmem>>, %arg13: memref<512x256xf32, #tpu.memory_space<vmem>>, %arg14: memref<1x256xf32, #tpu.memory_space<vmem>>, %arg15: memref<1x256xf32, #tpu.memory_space<vmem>>, %arg16: memref<1x256xf32, #tpu.memory_space<vmem>>, %arg17: memref<256x170xf32, #tpu.memory_space<vmem>>, %arg18: memref<1x170xf32, #tpu.memory_space<vmem>>, %arg19: memref<1x170xf32, #tpu.memory_space<vmem>>, %arg20: memref<1x170xf32, #tpu.memory_space<vmem>>, %arg21: memref<8x170xf32, #tpu.memory_space<vmem>>) attributes {dimension_semantics = [#tpu.dimension_semantics<arbitrary>, #tpu.dimension_semantics<arbitrary>], iteration_bounds = array<i64: 8, 4>, scalar_prefetch = 0 : i64, scratch_operands = 0 : i64, tpu.core_type = #tpu.core_type<tc>, window_params = [{transform_indices = @transform_0, window_bounds = array<i64: 1, 256, 288>}, {pipeline_mode = #tpu.pipeline_mode<synchronous>, transform_indices = @transform_1, window_bounds = array<i64: 288, 512>}, {pipeline_mode = #tpu.pipeline_mode<synchronous>, transform_indices = @transform_2, window_bounds = array<i64: 1, 512>}, {pipeline_mode = #tpu.pipeline_mode<synchronous>, transform_indices = @transform_3, window_bounds = array<i64: 1, 512>}, {pipeline_mode = #tpu.pipeline_mode<synchronous>, transform_indices = @transform_4, window_bounds = array<i64: 1, 512>}, {pipeline_mode = #tpu.pipeline_mode<synchronous>, transform_indices = @transform_5, window_bounds = array<i64: 512, 512>}, {pipeline_mode = #tpu.pipeline_mode<synchronous>, transform_indices = @transform_6, window_bounds = array<i64: 1, 512>}, {pipeline_mode = #tpu.pipeline_mode<synchronous>, transform_indices = @transform_7, window_bounds = array<i64: 512, 512>}, {pipeline_mode = #tpu.pipeline_mode<synchronous>, transform_indices = @transform_8, window_bounds = array<i64: 1, 512>}, {pipeline_mode = #tpu.pipeline_mode<synchronous>, transform_indices = @transform_9, window_bounds = array<i64: 1, 512>}, {pipeline_mode = #tpu.pipeline_mode<synchronous>, transform_indices = @transform_10, window_bounds = array<i64: 1, 512>}, {pipeline_mode = #tpu.pipeline_mode<synchronous>, transform_indices = @transform_11, window_bounds = array<i64: 512, 256>}, {pipeline_mode = #tpu.pipeline_mode<synchronous>, transform_indices = @transform_12, window_bounds = array<i64: 1, 256>}, {pipeline_mode = #tpu.pipeline_mode<synchronous>, transform_indices = @transform_13, window_bounds = array<i64: 1, 256>}, {pipeline_mode = #tpu.pipeline_mode<synchronous>, transform_indices = @transform_14, window_bounds = array<i64: 1, 256>}, {pipeline_mode = #tpu.pipeline_mode<synchronous>, transform_indices = @transform_15, window_bounds = array<i64: 256, 170>}, {pipeline_mode = #tpu.pipeline_mode<synchronous>, transform_indices = @transform_16, window_bounds = array<i64: 1, 170>}, {pipeline_mode = #tpu.pipeline_mode<synchronous>, transform_indices = @transform_17, window_bounds = array<i64: 1, 170>}, {pipeline_mode = #tpu.pipeline_mode<synchronous>, transform_indices = @transform_18, window_bounds = array<i64: 1, 170>}, {pipeline_mode = #tpu.pipeline_mode<synchronous>, transform_indices = @transform_19, window_bounds = array<i64: 8, 170>}]} {
    %get3A = arith.constant 0 : index
    %get3A_0 = arith.constant 0 : index
    %get3A_1 = arith.constant 0 : index
    %get3A_2 = vector.load %arg2[%get3A, %get3A_0, %get3A_1] : memref<1x256x288xf32, #tpu.memory_space<vmem>>, vector<1x256x288xf32>
    %get3A_3 = vector.shape_cast %get3A_2 : vector<1x256x288xf32> to vector<256x288xf32>
    %get3A_4 = arith.constant 0 : index
    %get3A_5 = arith.constant 0 : index
    %get3A_6 = vector.load %arg3[%get3A_4, %get3A_5] : memref<288x512xf32, #tpu.memory_space<vmem>>, vector<288x512xf32>
    %dot_general3A = arith.constant dense<0.000000e+00> : vector<256x512xf32>
    %dot_general3A_7 = tpu.matmul %get3A_3, %get3A_6, %dot_general3A {dimension_numbers = #tpu.dot_dimension_numbers<[1], [0], [0], [1], [0, 0, 1, 1], [], []>, transpose_lhs_hint = false} : vector<256x288xf32>, vector<288x512xf32>, vector<256x512xf32> -> vector<256x512xf32>
    %get3A_8 = arith.constant 0 : index
    %get3A_9 = arith.constant 0 : index
    %get3A_10 = vector.load %arg4[%get3A_8, %get3A_9] : memref<1x512xf32, #tpu.memory_space<vmem>>, vector<1x512xf32>
    %add3A = vector.broadcast %get3A_10 : vector<1x512xf32> to vector<256x512xf32>
    %add3A_11 = arith.addf %dot_general3A_7, %add3A : vector<256x512xf32>
    %get3A_12 = arith.constant 0 : index
    %get3A_13 = arith.constant 0 : index
    %get3A_14 = vector.load %arg5[%get3A_12, %get3A_13] : memref<1x512xf32, #tpu.memory_space<vmem>>, vector<1x512xf32>
    %mul3A = vector.broadcast %get3A_14 : vector<1x512xf32> to vector<256x512xf32>
    %mul3A_15 = arith.mulf %mul3A, %add3A_11 : vector<256x512xf32>
    %mul3A_16 = arith.constant 0.999500393 : f32
    %mul3A_17 = vector.broadcast %mul3A_16 : f32 to vector<256x512xf32>
    %mul3A_18 = arith.mulf %mul3A_15, %mul3A_17 : vector<256x512xf32>
    %get3A_19 = arith.constant 0 : index
    %get3A_20 = arith.constant 0 : index
    %get3A_21 = vector.load %arg6[%get3A_19, %get3A_20] : memref<1x512xf32, #tpu.memory_space<vmem>>, vector<1x512xf32>
    %add3A_22 = vector.broadcast %get3A_21 : vector<1x512xf32> to vector<256x512xf32>
    %add3A_23 = arith.addf %mul3A_18, %add3A_22 : vector<256x512xf32>
    %max3A = arith.constant 0.000000e+00 : f32
    %max3A_24 = vector.broadcast %max3A : f32 to vector<256x512xf32>
    %max3A_25 = arith.maximumf %add3A_23, %max3A_24 : vector<256x512xf32>
    %get3A_26 = arith.constant 0 : index
    %get3A_27 = arith.constant 0 : index
    %get3A_28 = vector.load %arg7[%get3A_26, %get3A_27] : memref<512x512xf32, #tpu.memory_space<vmem>>, vector<512x512xf32>
    %dot_general3A_29 = arith.constant dense<0.000000e+00> : vector<256x512xf32>
    %dot_general3A_30 = tpu.matmul %max3A_25, %get3A_28, %dot_general3A_29 {dimension_numbers = #tpu.dot_dimension_numbers<[1], [0], [0], [1], [0, 0, 1, 1], [], []>, transpose_lhs_hint = false} : vector<256x512xf32>, vector<512x512xf32>, vector<256x512xf32> -> vector<256x512xf32>
    %add3A_31 = arith.addf %max3A_25, %dot_general3A_30 : vector<256x512xf32>
    %get3A_32 = arith.constant 0 : index
    %get3A_33 = arith.constant 0 : index
    %get3A_34 = vector.load %arg8[%get3A_32, %get3A_33] : memref<1x512xf32, #tpu.memory_space<vmem>>, vector<1x512xf32>
    %add3A_35 = vector.broadcast %get3A_34 : vector<1x512xf32> to vector<256x512xf32>
    %add3A_36 = arith.addf %add3A_31, %add3A_35 : vector<256x512xf32>
    %get3A_37 = arith.constant 0 : index
    %get3A_38 = arith.constant 0 : index
    %get3A_39 = vector.load %arg9[%get3A_37, %get3A_38] : memref<512x512xf32, #tpu.memory_space<vmem>>, vector<512x512xf32>
    %dot_general3A_40 = arith.constant dense<0.000000e+00> : vector<256x512xf32>
    %dot_general3A_41 = tpu.matmul %add3A_36, %get3A_39, %dot_general3A_40 {dimension_numbers = #tpu.dot_dimension_numbers<[1], [0], [0], [1], [0, 0, 1, 1], [], []>, transpose_lhs_hint = false} : vector<256x512xf32>, vector<512x512xf32>, vector<256x512xf32> -> vector<256x512xf32>
    %get3A_42 = arith.constant 0 : index
    %get3A_43 = arith.constant 0 : index
    %get3A_44 = vector.load %arg10[%get3A_42, %get3A_43] : memref<1x512xf32, #tpu.memory_space<vmem>>, vector<1x512xf32>
    %add3A_45 = vector.broadcast %get3A_44 : vector<1x512xf32> to vector<256x512xf32>
    %add3A_46 = arith.addf %dot_general3A_41, %add3A_45 : vector<256x512xf32>
    %get3A_47 = arith.constant 0 : index
    %get3A_48 = arith.constant 0 : index
    %get3A_49 = vector.load %arg11[%get3A_47, %get3A_48] : memref<1x512xf32, #tpu.memory_space<vmem>>, vector<1x512xf32>
    %mul3A_50 = vector.broadcast %get3A_49 : vector<1x512xf32> to vector<256x512xf32>
    %mul3A_51 = arith.mulf %mul3A_50, %add3A_46 : vector<256x512xf32>
    %mul3A_52 = arith.constant 0.999500393 : f32
    %mul3A_53 = vector.broadcast %mul3A_52 : f32 to vector<256x512xf32>
    %mul3A_54 = arith.mulf %mul3A_51, %mul3A_53 : vector<256x512xf32>
    %get3A_55 = arith.constant 0 : index
    %get3A_56 = arith.constant 0 : index
    %get3A_57 = vector.load %arg12[%get3A_55, %get3A_56] : memref<1x512xf32, #tpu.memory_space<vmem>>, vector<1x512xf32>
    %add3A_58 = vector.broadcast %get3A_57 : vector<1x512xf32> to vector<256x512xf32>
    %add3A_59 = arith.addf %mul3A_54, %add3A_58 : vector<256x512xf32>
    %max3A_60 = arith.constant 0.000000e+00 : f32
    %max3A_61 = vector.broadcast %max3A_60 : f32 to vector<256x512xf32>
    %max3A_62 = arith.maximumf %add3A_59, %max3A_61 : vector<256x512xf32>
    %get3A_63 = arith.constant 0 : index
    %get3A_64 = arith.constant 0 : index
    %get3A_65 = vector.load %arg13[%get3A_63, %get3A_64] : memref<512x256xf32, #tpu.memory_space<vmem>>, vector<512x256xf32>
    %dot_general3A_66 = arith.constant dense<0.000000e+00> : vector<256x256xf32>
    %dot_general3A_67 = tpu.matmul %max3A_62, %get3A_65, %dot_general3A_66 {dimension_numbers = #tpu.dot_dimension_numbers<[1], [0], [0], [1], [0, 0, 1, 1], [], []>, transpose_lhs_hint = false} : vector<256x512xf32>, vector<512x256xf32>, vector<256x256xf32> -> vector<256x256xf32>
    %get3A_68 = arith.constant 0 : index
    %get3A_69 = arith.constant 0 : index
    %get3A_70 = vector.load %arg14[%get3A_68, %get3A_69] : memref<1x256xf32, #tpu.memory_space<vmem>>, vector<1x256xf32>
    %add3A_71 = vector.broadcast %get3A_70 : vector<1x256xf32> to vector<256x256xf32>
    %add3A_72 = arith.addf %dot_general3A_67, %add3A_71 : vector<256x256xf32>
    %get3A_73 = arith.constant 0 : index
    %get3A_74 = arith.constant 0 : index
    %get3A_75 = vector.load %arg15[%get3A_73, %get3A_74] : memref<1x256xf32, #tpu.memory_space<vmem>>, vector<1x256xf32>
    %mul3A_76 = vector.broadcast %get3A_75 : vector<1x256xf32> to vector<256x256xf32>
    %mul3A_77 = arith.mulf %mul3A_76, %add3A_72 : vector<256x256xf32>
    %mul3A_78 = arith.constant 0.999500393 : f32
    %mul3A_79 = vector.broadcast %mul3A_78 : f32 to vector<256x256xf32>
    %mul3A_80 = arith.mulf %mul3A_77, %mul3A_79 : vector<256x256xf32>
    %get3A_81 = arith.constant 0 : index
    %get3A_82 = arith.constant 0 : index
    %get3A_83 = vector.load %arg16[%get3A_81, %get3A_82] : memref<1x256xf32, #tpu.memory_space<vmem>>, vector<1x256xf32>
    %add3A_84 = vector.broadcast %get3A_83 : vector<1x256xf32> to vector<256x256xf32>
    %add3A_85 = arith.addf %mul3A_80, %add3A_84 : vector<256x256xf32>
    %max3A_86 = arith.constant 0.000000e+00 : f32
    %max3A_87 = vector.broadcast %max3A_86 : f32 to vector<256x256xf32>
    %max3A_88 = arith.maximumf %add3A_85, %max3A_87 : vector<256x256xf32>
    %get3A_89 = arith.constant 0 : index
    %get3A_90 = arith.constant 0 : index
    %get3A_91 = vector.load %arg17[%get3A_89, %get3A_90] : memref<256x170xf32, #tpu.memory_space<vmem>>, vector<256x170xf32>
    %dot_general3A_92 = arith.constant dense<0.000000e+00> : vector<256x170xf32>
    %dot_general3A_93 = tpu.matmul %max3A_88, %get3A_91, %dot_general3A_92 {dimension_numbers = #tpu.dot_dimension_numbers<[1], [0], [0], [1], [0, 0, 1, 1], [], []>, transpose_lhs_hint = false} : vector<256x256xf32>, vector<256x170xf32>, vector<256x170xf32> -> vector<256x170xf32>
    %get3A_94 = arith.constant 0 : index
    %get3A_95 = arith.constant 0 : index
    %get3A_96 = vector.load %arg18[%get3A_94, %get3A_95] : memref<1x170xf32, #tpu.memory_space<vmem>>, vector<1x170xf32>
    %add3A_97 = vector.broadcast %get3A_96 : vector<1x170xf32> to vector<256x170xf32>
    %add3A_98 = arith.addf %dot_general3A_93, %add3A_97 : vector<256x170xf32>
    %get3A_99 = arith.constant 0 : index
    %get3A_100 = arith.constant 0 : index
    %get3A_101 = vector.load %arg19[%get3A_99, %get3A_100] : memref<1x170xf32, #tpu.memory_space<vmem>>, vector<1x170xf32>
    %mul3A_102 = vector.broadcast %get3A_101 : vector<1x170xf32> to vector<256x170xf32>
    %mul3A_103 = arith.mulf %mul3A_102, %add3A_98 : vector<256x170xf32>
    %mul3A_104 = arith.constant 0.999500393 : f32
    %mul3A_105 = vector.broadcast %mul3A_104 : f32 to vector<256x170xf32>
    %mul3A_106 = arith.mulf %mul3A_103, %mul3A_105 : vector<256x170xf32>
    %get3A_107 = arith.constant 0 : index
    %get3A_108 = arith.constant 0 : index
    %get3A_109 = vector.load %arg20[%get3A_107, %get3A_108] : memref<1x170xf32, #tpu.memory_space<vmem>>, vector<1x170xf32>
    %add3A_110 = vector.broadcast %get3A_109 : vector<1x170xf32> to vector<256x170xf32>
    %add3A_111 = arith.addf %mul3A_106, %add3A_110 : vector<256x170xf32>
    %max3A_112 = arith.constant 0.000000e+00 : f32
    %max3A_113 = vector.broadcast %max3A_112 : f32 to vector<256x170xf32>
    %max3A_114 = arith.maximumf %add3A_111, %max3A_113 : vector<256x170xf32>
    %reduce_max3A = arith.constant dense<0xFF800000> : vector<170xf32>
    %reduce_max3A_115 = vector.multi_reduction <maximumf>, %max3A_114, %reduce_max3A [0] : vector<256x170xf32> to vector<170xf32>
    %broadcast_in_dim3A = vector.shape_cast %reduce_max3A_115 : vector<170xf32> to vector<1x170xf32>
    %eq3A = arith.constant 0 : i32
    %eq3A_116 = arith.cmpi eq, %arg1, %eq3A : i32
    %convert_element_type3A = arith.extui %eq3A_116 : i1 to i32
    %cond3A = arith.constant 0 : i32
    %cond3A_117 = arith.cmpi ne, %convert_element_type3A, %cond3A : i32
    scf.if %cond3A_117 {
      %swap3A = arith.index_cast %arg0 : i32 to index
      %swap3A_122 = arith.constant 0 : index
      %swap3A_123 = vector.load %arg21[%swap3A, %swap3A_122] : memref<8x170xf32, #tpu.memory_space<vmem>>, vector<1x170xf32>
      tpu.vector_store %arg21[%swap3A, %swap3A_122], %broadcast_in_dim3A {strides = array<i32>} : memref<8x170xf32, #tpu.memory_space<vmem>>, vector<1x170xf32>,
    } else {
    }
    %ne3A = arith.constant 0 : i32
    %ne3A_118 = arith.cmpi ne, %arg1, %ne3A : i32
    %convert_element_type3A_119 = arith.extui %ne3A_118 : i1 to i32
    %cond3A_120 = arith.constant 0 : i32
    %cond3A_121 = arith.cmpi ne, %convert_element_type3A_119, %cond3A_120 : i32
    scf.if %cond3A_121 {
      %get3A_122 = arith.index_cast %arg0 : i32 to index
      %get3A_123 = arith.constant 0 : index
      %get3A_124 = vector.load %arg21[%get3A_122, %get3A_123] : memref<8x170xf32, #tpu.memory_space<vmem>>, vector<1x170xf32>
      %max3A_125 = arith.maximumf %get3A_124, %broadcast_in_dim3A : vector<1x170xf32>
      %swap3A = arith.index_cast %arg0 : i32 to index
      %swap3A_126 = arith.constant 0 : index
      %swap3A_127 = vector.load %arg21[%swap3A, %swap3A_126] : memref<8x170xf32, #tpu.memory_space<vmem>>, vector<1x170xf32>
      tpu.vector_store %arg21[%swap3A, %swap3A_126], %max3A_125 {strides = array<i32>} : memref<8x170xf32, #tpu.memory_space<vmem>>, vector<1x170xf32>,
    } else {
    }
    return
  }
  func.func @transform_0(%arg0: i32, %arg1: i32) -> (i32, i32, i32) {
    %c0_i32 = arith.constant 0 : i32
    %c0_i32_0 = arith.constant 0 : i32
    return %arg0, %arg1, %c0_i32 : i32, i32, i32
  }
  func.func @transform_1(%arg0: i32, %arg1: i32) -> (i32, i32) {
    %c0_i32 = arith.constant 0 : i32
    %c0_i32_0 = arith.constant 0 : i32
    %c0_i32_1 = arith.constant 0 : i32
    return %c0_i32, %c0_i32_0 : i32, i32
  }
  func.func @transform_2(%arg0: i32, %arg1: i32) -> (i32, i32) {
    %c0_i32 = arith.constant 0 : i32
    %c0_i32_0 = arith.constant 0 : i32
    %c0_i32_1 = arith.constant 0 : i32
    return %c0_i32, %c0_i32_0 : i32, i32
  }
  func.func @transform_3(%arg0: i32, %arg1: i32) -> (i32, i32) {
    %c0_i32 = arith.constant 0 : i32
    %c0_i32_0 = arith.constant 0 : i32
    %c0_i32_1 = arith.constant 0 : i32
    return %c0_i32, %c0_i32_0 : i32, i32
  }
  func.func @transform_4(%arg0: i32, %arg1: i32) -> (i32, i32) {
    %c0_i32 = arith.constant 0 : i32
    %c0_i32_0 = arith.constant 0 : i32
    %c0_i32_1 = arith.constant 0 : i32
    return %c0_i32, %c0_i32_0 : i32, i32
  }
  func.func @transform_5(%arg0: i32, %arg1: i32) -> (i32, i32) {
    %c0_i32 = arith.constant 0 : i32
    %c0_i32_0 = arith.constant 0 : i32
    %c0_i32_1 = arith.constant 0 : i32
    return %c0_i32, %c0_i32_0 : i32, i32
  }
  func.func @transform_6(%arg0: i32, %arg1: i32) -> (i32, i32) {
    %c0_i32 = arith.constant 0 : i32
    %c0_i32_0 = arith.constant 0 : i32
    %c0_i32_1 = arith.constant 0 : i32
    return %c0_i32, %c0_i32_0 : i32, i32
  }
  func.func @transform_7(%arg0: i32, %arg1: i32) -> (i32, i32) {
    %c0_i32 = arith.constant 0 : i32
    %c0_i32_0 = arith.constant 0 : i32
    %c0_i32_1 = arith.constant 0 : i32
    return %c0_i32, %c0_i32_0 : i32, i32
  }
  func.func @transform_8(%arg0: i32, %arg1: i32) -> (i32, i32) {
    %c0_i32 = arith.constant 0 : i32
    %c0_i32_0 = arith.constant 0 : i32
    %c0_i32_1 = arith.constant 0 : i32
    return %c0_i32, %c0_i32_0 : i32, i32
  }
  func.func @transform_9(%arg0: i32, %arg1: i32) -> (i32, i32) {
    %c0_i32 = arith.constant 0 : i32
    %c0_i32_0 = arith.constant 0 : i32
    %c0_i32_1 = arith.constant 0 : i32
    return %c0_i32, %c0_i32_0 : i32, i32
  }
  func.func @transform_10(%arg0: i32, %arg1: i32) -> (i32, i32) {
    %c0_i32 = arith.constant 0 : i32
    %c0_i32_0 = arith.constant 0 : i32
    %c0_i32_1 = arith.constant 0 : i32
    return %c0_i32, %c0_i32_0 : i32, i32
  }
  func.func @transform_11(%arg0: i32, %arg1: i32) -> (i32, i32) {
    %c0_i32 = arith.constant 0 : i32
    %c0_i32_0 = arith.constant 0 : i32
    %c0_i32_1 = arith.constant 0 : i32
    return %c0_i32, %c0_i32_0 : i32, i32
  }
  func.func @transform_12(%arg0: i32, %arg1: i32) -> (i32, i32) {
    %c0_i32 = arith.constant 0 : i32
    %c0_i32_0 = arith.constant 0 : i32
    %c0_i32_1 = arith.constant 0 : i32
    return %c0_i32, %c0_i32_0 : i32, i32
  }
  func.func @transform_13(%arg0: i32, %arg1: i32) -> (i32, i32) {
    %c0_i32 = arith.constant 0 : i32
    %c0_i32_0 = arith.constant 0 : i32
    %c0_i32_1 = arith.constant 0 : i32
    return %c0_i32, %c0_i32_0 : i32, i32
  }
  func.func @transform_14(%arg0: i32, %arg1: i32) -> (i32, i32) {
    %c0_i32 = arith.constant 0 : i32
    %c0_i32_0 = arith.constant 0 : i32
    %c0_i32_1 = arith.constant 0 : i32
    return %c0_i32, %c0_i32_0 : i32, i32
  }
  func.func @transform_15(%arg0: i32, %arg1: i32) -> (i32, i32) {
    %c0_i32 = arith.constant 0 : i32
    %c0_i32_0 = arith.constant 0 : i32
    %c0_i32_1 = arith.constant 0 : i32
    return %c0_i32, %c0_i32_0 : i32, i32
  }
  func.func @transform_16(%arg0: i32, %arg1: i32) -> (i32, i32) {
    %c0_i32 = arith.constant 0 : i32
    %c0_i32_0 = arith.constant 0 : i32
    %c0_i32_1 = arith.constant 0 : i32
    return %c0_i32, %c0_i32_0 : i32, i32
  }
  func.func @transform_17(%arg0: i32, %arg1: i32) -> (i32, i32) {
    %c0_i32 = arith.constant 0 : i32
    %c0_i32_0 = arith.constant 0 : i32
    %c0_i32_1 = arith.constant 0 : i32
    return %c0_i32, %c0_i32_0 : i32, i32
  }
  func.func @transform_18(%arg0: i32, %arg1: i32) -> (i32, i32) {
    %c0_i32 = arith.constant 0 : i32
    %c0_i32_0 = arith.constant 0 : i32
    %c0_i32_1 = arith.constant 0 : i32
    return %c0_i32, %c0_i32_0 : i32, i32
  }
  func.func @transform_19(%arg0: i32, %arg1: i32) -> (i32, i32) {
    %c0_i32 = arith.constant 0 : i32
    %c0_i32_0 = arith.constant 0 : i32
    %c0_i32_1 = arith.constant 0 : i32
    return %c0_i32, %c0_i32_0 : i32, i32
  }
}

</mosaic_0001>

<sc_bundles>
// kernel: kernel.5.cloned.1.call-start
scs
__scs_entry_jumppad:
0x0: {  	(pc) =	sbr.rel $0x88, $3  }
0x1: {  	(tag) =	ssettag $0x0;
	lr =	simm.s32 $0x1  }
0x2: {  	[smem:$0x3F84] =	sst lr;
	_ =	strace $0xD0000000  }
0x3: {  	_ = 	snop  }
0x4: {  	_ = 	snop  }
0x5: {  	_ = 	snop  }
0x6: {  	_ = 	snop  }
0x7: {  	_ = 	snop  }
__scs_overlays_trampoline_lowered:
0x8: {  	[smem:$0x3F93] =	sst s0  }
0x9: {  	[smem:$0x3F94] =	sst s1  }
0xa: {  	[smem:$0x3F95] =	sst s2  }
0xb: {  	[smem:$0x3F96] =	sst s3  }
0xc: {  	[smem:$0x3F97] =	sst s4  }
0xd: {  	[smem:$0x3F98] =	sst s5  }
0xe: {  	[smem:$0x3F99] =	sst s6  }
0xf: {  	[smem:$0x3F9A] =	sst s7  }
0x10: {  	[smem:$0x3F9B] =	sst s8  }
0x11: {  	[smem:$0x3F9C] =	sst s9;
	s0 =	simm.s32 @!p0 $0x0  }
0x12: {  	s1 =	sld [smem:$0x3F82];
	s0 =	simm.s32 @p0 $0x1  }
0x13: {  	[smem:$0x3F9D] =	sst s0;
	s0 =	simm.s32 @!p1 $0x0  }
0x14: {  	s2 =	sld [smem:$0x3F81];
	s0 =	simm.s32 @p1 $0x1  }
0x15: {  	[smem:$0x3F9E] =	sst s0;
	s0 =	simm.s32 @!p2 $0x0  }
0x16: {  	s3 =	sld [smem:$0x3FDB];
	s0 =	simm.s32 @p2 $0x1  }
0x17: {  	s4 =	simm.s32 $0x1BF5;
	[smem:$0x3FA0] =	sst s0  }
0x18: {  	s0 =	sld [smem:$0x3F83];
	_ =	swait.ge [sflag:s4], $0x0  }
0x19: {  	s7 =	sld [smem:$0x3F84]  }
0x1a: {  	s8 =	sadd.s32 $0xFFFFE003, lr  }
0x1b: {  	s9 =	sadd.s32 $0xFFFFFEF7, lr;
	s5 =	simm.s32 $0xFFFFFFFF;
	p2 =	slt.u32 s8, $0xFFFFF086  }
0x1c: {  	p1 =	slt.u32 s9, $0xF7A;
	s5 =	simm.s32 @!p2 $0x0  }
0x1d: {  	s5 =	simm.s32 @p1 $0x1;
	p0 =	seq.s32 s7, s2  }
0x1e: {  	s7 =	smul.u32 @!p0 $0xF7A, s2;
	p2 =	seq.s32 @!p0 s5, $0x0  }
0x1f: {  	s9 =	smul.u32 $0xF7A, s1;
	s8 =	simm.s32 @!p0 $0x1BF5;
	p2 =	por !p2, p0  }
0x20: {  	[sflag:s8] =	ssyncset.s32 @!p0 $0xFFFFF086;
	s6 =	sadd.s32 @!p0 s3, s7;
	s7 =	simm.s32 @!p0 $0x108  }
0x21: {  	s3 =	sadd.s32 s3, s9;
	s6 =	sadd.s32 @!p0 $0x88, s6;
	s7 =	simm.s32 @p2 $0x1082  }
0x22: {  	[simem:s7], [sflag:s8] =	dma.local @!p0 [hbm:s6], $0xF7A  }
0x23: {  	s9 =	sor.u32 $0xD0000000, s2;
	s6 =	simm.s32 $0x108;
	_ =	swait.ge @!p0 [sflag:s8], $0x0  }
0x24: {  	s3 =	sadd.s32 $0x88, s3;
	s6 =	simm.s32 @!p1 $0x1082;
	[sflag:s4] =	ssyncset.s32 $0xFFFFF086  }
0x25: {  	[simem:s6], [sflag:s4] =	dma.local [hbm:s3], $0xF7A  }
0x26: {  	[smem:$0x3F84] =	sst s1;
	(tag) =	ssettag s2;
	_ =	strace s9  }
0x27: {  	s1 =	sld [smem:$0x3F94]  }
0x28: {  	s2 =	sld [smem:$0x3F95]  }
0x29: {  	s4 =	sld [smem:$0x3F97]  }
0x2a: {  	p0 =	seq.s32 s5, $0x0;
	s5 =	sld [smem:$0x3F98]  }
0x2b: {  	s6 =	sld [smem:$0x3F99]  }
0x2c: {  	s7 =	sld [smem:$0x3F9A]  }
0x2d: {  	s3 =	simm.s32 $0x108;
	s8 =	sld [smem:$0x3F9B]  }
0x2e: {  	s3 =	simm.s32 @!p0 $0x1082;
	s9 =	sld [smem:$0x3F9C]  }
0x2f: {  	lr =	sadd.s32 s0, s3;
	s0 =	sld [smem:$0x3F93]  }
0x30: {  	s3 =	sld [smem:$0x3F96]  }
0x31: {  	[smem:$0x3F9F] =	sst s10  }
0x32: {  	s10 =	sld [smem:$0x3F9D];
	_ =	sdelay $0x3  }
0x33: {  	p0 =	seq.s32 s10, $0x1;
	s10 =	sld [smem:$0x3F9F];
	_ =	sdelay $0x3  }
0x34: {  	[smem:$0x3F9F] =	sst s10  }
0x35: {  	s10 =	sld [smem:$0x3F9E];
	_ =	sdelay $0x3  }
0x36: {  	p1 =	seq.s32 s10, $0x1;
	s10 =	sld [smem:$0x3F9F];
	_ =	sdelay $0x3  }
0x37: {  	[smem:$0x3F9F] =	sst s10  }
0x38: {  	s10 =	sld [smem:$0x3FA0]  }
0x39: {  	_ = 	snop;
	(pc) =	sbr.ind lr, $3  }
0x3a: {  	_ = 	snop  }
0x3b: {  	_ = 	snop  }
0x3c: {  	p2 =	seq.s32 s10, $0x1;
	s10 =	sld [smem:$0x3F9F]  }
0x3d: {  	_ =	shalt  }
0x3e: {  	_ =	shalt  }
0x3f: {  	_ =	shalt  }
0x40: {  	_ =	shalt  }
0x41: {  	_ =	shalt  }
0x42: {  	_ =	shalt  }
0x43: {  	_ =	shalt  }
0x44: {  	_ =	shalt  }
0x45: {  	_ =	shalt  }
0x46: {  	_ =	shalt  }
0x47: {  	_ =	shalt  }
0x48: {  	_ =	shalt  }
0x49: {  	_ =	shalt  }
0x4a: {  	_ =	shalt  }
0x4b: {  	_ =	shalt  }
0x4c: {  	_ =	shalt  }
0x4d: {  	_ =	shalt  }
0x4e: {  	_ =	shalt  }
0x4f: {  	_ =	shalt  }
0x50: {  	_ =	shalt  }
0x51: {  	_ =	shalt  }
0x52: {  	_ =	shalt  }
0x53: {  	_ =	shalt  }
0x54: {  	_ =	shalt  }
0x55: {  	_ =	shalt  }
0x56: {  	_ =	shalt  }
0x57: {  	_ =	shalt  }
0x58: {  	_ =	shalt  }
0x59: {  	_ =	shalt  }
0x5a: {  	_ =	shalt  }
0x5b: {  	_ =	shalt  }
0x5c: {  	_ =	shalt  }
0x5d: {  	_ =	shalt  }
0x5e: {  	_ =	shalt  }
0x5f: {  	_ =	shalt  }
0x60: {  	_ =	shalt  }
0x61: {  	_ =	shalt  }
0x62: {  	_ =	shalt  }
0x63: {  	_ =	shalt  }
0x64: {  	_ =	shalt  }
0x65: {  	_ =	shalt  }
0x66: {  	_ =	shalt  }
0x67: {  	_ =	shalt  }
0x68: {  	_ =	shalt  }
0x69: {  	_ =	shalt  }
0x6a: {  	_ =	shalt  }
0x6b: {  	_ =	shalt  }
0x6c: {  	_ =	shalt  }
0x6d: {  	_ =	shalt  }
0x6e: {  	_ =	shalt  }
0x6f: {  	_ =	shalt  }
0x70: {  	_ =	shalt  }
0x71: {  	_ =	shalt  }
0x72: {  	_ =	shalt  }
0x73: {  	_ =	shalt  }
0x74: {  	_ =	shalt  }
0x75: {  	_ =	shalt  }
0x76: {  	_ =	shalt  }
0x77: {  	_ =	shalt  }
0x78: {  	_ =	shalt  }
0x79: {  	_ =	shalt  }
0x7a: {  	_ =	shalt  }
0x7b: {  	_ =	shalt  }
0x7c: {  	_ =	shalt  }
0x7d: {  	_ =	shalt  }
0x7e: {  	_ =	shalt  }
0x7f: {  	_ =	shalt  }
0x80: {  	_ =	shalt  }
0x81: {  	_ =	shalt  }
0x82: {  	_ =	shalt  }
0x83: {  	_ =	shalt  }
0x84: {  	_ =	shalt  }
0x85: {  	_ =	shalt  }
0x86: {  	_ =	shalt  }
0x87: {  	_ =	shalt  }
.Lfunc_end0:
.L_simem_size_0:
called_computation_lowered:
.L_overlay_start_0:
0x88: {  	s2 =	sld [smem:$0x3FD9]  }
0x89: {  	s3 =	sld [smem:$0x3FFE];
	_ =	sdelay $0x1  }
0x8a: {  	s1 =	srdreg.scid  }
0x8b: {  	s0 =	sand.u32 $0x1, s1  }
0x8c: {  	s16 =	sshll.u32 s0, $0xA;
	s2 =	sadd.s32 s3, s2  }
0x8d: {  	s2 =	sadd.s32 s2, s16  }
0x8e: {  	[smem:$0x3FAB] =	sst s2  }
0x8f: {  	_ = 	snop  }
0x90: {  	(tm) =	ssettm $0x1  }
0x91: {  	s17 =	sld [smem:$0x3FFB];
	_ =	sdelay $0x3  }
0x92: {  	_ =	strace s17  }
0x93: {  	s2 =	sld [smem:$0x3FFC];
	_ =	sdelay $0x3  }
0x94: {  	_ =	strace s2  }
0x95: {  	s2 =	sld [smem:$0x3FFD];
	_ =	sdelay $0x3  }
0x96: {  	_ =	strace s2  }
0x97: {  	_ =	strace $0x8FFFFFFF  }
0x98: {  	s18 =	sld [smem:$0x3FDB];
	_ =	sdelay $0x1  }
0x99: {  	s19 =	simm.s32 $_scs_section_size  }
0x9a: {  	s4 =	simm.s32 $_size__tile_overlayer_lowered;
	s5 =	simm.s32 $_tile_overlayer_lowered  }
0x9b: {  	s22 =	simm.s32 $0x1BFF;
	s21 =	sshll.u32 s5, $0x1;
	s2 =	sadd.s32 s19, s18  }
0x9c: {  	s6 =	simm.s32 $0x0;
	s20 =	sshll.u32 s4, $0x1;
	s4 =	sadd.s32 s21, s2  }
0x9d: {  	[timem:s6], [sflag:s22] =	dma.local [hbm:s4], s20  }
0x9e: {  	_ =	swait.ge [sflag:s22], s20  }
0x9f: {  	s3 =	ssub.s32 $0x0, s20;
	[sflag:s22] =	ssyncset.done $0x0  }
0xa0: {  	[sflag:s22] =	ssyncadd.s32 s3;
	_ =	sdelay $0x1  }
0xa1: {  	s23 =	simm.s32 $0x1B8B  }
0xa2: {  	_ =	swait.ge [sflag:s23], $0x1  }
0xa3: {  	[sflag:s23] =	ssyncset.done $0x0  }
0xa4: {  	s25 =	simm.s32 $0x1B8E;
	s24 =	sld [smem:$0x3FFE];
	[sflag:s23] =	ssyncadd.s32 $0xFFFFFFFF  }
0xa5: {  	s26 =	simm.s32 $execute0_lowered;
	[smem:$0x3FD2] =	sst s25  }
0xa6: {  	s4 =	sshll.u32 s26, $0x1;
	_ =	strace $0x80000046;
	[dreg:$0x1] =	wrdreg $0xFFFFFFFF  }
0xa7: {  	s28 =	simm.s32 $_size_execute0_lowered;
	s2 =	sadd.s32 s2, s4;
	[dreg:$0x0] =	wrdreg $0x0  }
0xa8: {  	s4 =	sshll.u32 s28, $0x1;
	[dreg:$0x2] =	wrdreg s2  }
0xa9: {  	[dreg:$0x3] =	wrdreg s4  }
0xaa: {  	[dreg:$0x4] =	wrdreg $0xC0  }
0xab: {  	_ =	task [dreg:s6], $0x5FFFF  }
0xac: {  	[dreg:$0x1] =	wrdreg $0xFFFFFFFF  }
0xad: {  	[dreg:$0x0] =	wrdreg $0x60  }
0xae: {  	[dreg:$0x2] =	wrdreg s24  }
0xaf: {  	[dreg:$0x3] =	wrdreg $0x9  }
0xb0: {  	_ =	task.clear_ibuf [dreg:s6], $0x4FFFF;
	_ =	strace $0x90000046  }
0xb1: {  	s29 =	simm.s32 $0x9;
	_ =	strace $0x80000048  }
0xb2: {  	_ =	swait.ge [sflag:s29], $0x1  }
0xb3: {  	[sflag:s29] =	ssyncadd.s32 $0xFFFFFFFF  }
0xb4: {  	_ =	strace $0x90000048  }
0xb5: {  	_ =	sfence  }
0xb6: {  	s30 =	sld [smem:$0x0];
	_ =	sdelay $0x2  }
0xb7: {  	s31 =	sshll.u32 s1, $0xD;
	s1 =	sshrl.u32 s1, $0x2  }
0xb8: {  	s3 =	sand.u32 $0x4000, s31;
	s1 =	sadd.s32 s1, s30  }
0xb9: {  	s0 =	sor.u32 s3, s0;
	s1 =	sshll.u32 s1, $0x11  }
0xba: {  	s0 =	sor.u32 s1, s0  }
0xbb: {  	s0 =	sadd.s32 $0x8F2B, s0  }
0xbc: {  	[sflag:s0] =	ssyncadd.remote.s32 $0x1  }
0xbd: {  	_ =	sfence.sel $0xFFFF  }
0xbe: {  	[dreg:$0x0] =	wrdreg $0xFFFFFFFF;
	(pc) =	sbr.abs _section_cstart, $3  }
0xbf: {  	[dreg:$0x1] =	wrdreg $0xFFFFFFFF  }
0xc0: {  	_ =	task.clear_ibuf [dreg:s6], $0x2FFFF;
	_ =	strace $0x9FFFFFFF  }
0xc1: {  	(tm) =	ssettm $0x7FFFFFFF  }
tec
execute0_lowered:
.L_overlay_start_1:
0x0: {  	(tag) =	ssettag $0x1  }
0x1: {  	s0 =	rddreg [dreg:$0x0];
	s1 =	simm.s32 $0x0  }
0x2: {  	s3 =	srdreg.scid;
	s5 =	stileid.u32;
	s14 =	simm.s32 $0x80  }
0x3: {  	s15 =	simm.s32 $0x400;
	s16 =	simm.s32 $0x1;
	s17 =	simm.s32 $0x480  }
0x4: {  	s18 =	simm.s32 $0x900;
	s22 =	simm.s32 $0x5200;
	s23 =	simm.s32 $0xD80  }
0x5: {  	[smem:$0x7FF] =	sst s1;
	s2 =	sadd.s32 $0x5E00, s0;
	s6 =	sand.u32 $0x1, s3  }
0x6: {  	s4 =	sshll.u32 s5, $0x1;
	s7 =	sshrl.u32 s5, $0x1;
	s5 =	sadd.s32 $0x207200, s0  }
0x7: {  	s3 =	sadd.s32 $0x6A00, s0;
	_ =	strace $0x80000047;
	s9 =	smul.u32 $0xC00, s7  }
0x8: {  	s8 =	sor.u32 s6, s4;
	s4 =	sadd.s32 $0x106A00, s0;
	s10 =	smul.u32 $0x180, s7  }
0x9: {  	s25 =	ssub.s32 $0x2, s6;
	s7 =	smul.u32 $0x3, s7;
	s24 =	sshll.u32 s8, $0x5  }
0xa: {  	s6 =	sshrl.u32 s25, $0x1;
	s26 =	sshll.u32 s8, $0x8;
	s11 =	sadd.s32 s24, s0  }
0xb: {  	s9 =	sor.u32 s10, s9;
	s0 =	ssub.s32 s25, s6;
	s6 =	sand.u32 $0x300, s26  }
0xc: {  	s28 =	sadd.s32 $0x1, s7;
	s7 =	sadd.s32 $0x2, s7;
	s9 =	sand.u32 $0x6380, s9  }
0xd: {  	v0 =	vlaneseq.u32;
	s29 =	sshll.u32 s28, $0x7;
	s10 =	sshll.u32 s28, $0x4;
	s12 =	sshll.u32 s7, $0x4  }
0xe: {  	v1 =	vmul.u32 $0x9, v0;
	s7 =	sshll.u32 s7, $0x7;
	s30 =	sadd.s32 $0x206A00, s11;
	s31 =	sadd.s32 $0x206E00, s11  }
0xf: {  	s0 =	smax.u32 s0, $0x1;
	s9 =	sshrl.u32 s9, $0x3;
	[dreg:$0x5] =	wrdreg s30  }
0x10: {  	v2 =	vor.u32 $0x3F0, v0;
	v3 =	vadd.s32 $0x1, v1;
	v4 =	vadd.s32 $0x2, v1;
	s10 =	sand.u32 $0x70, s10;
	s12 =	sand.u32 $0x70, s12;
	[dreg:$0x6] =	wrdreg s31  }
.Ltmp0:
0x11: {  	v5 =	vadd.s32 $0x90, v1;
	v6 =	vadd.s32 $0x91, v1;
	v7 =	vadd.s32 $0x92, v1;
	s7 =	sand.u32 $0x1C00, s7;
	[dreg:$0x7] =	wrdreg s0;
	(pc) =	sbr.rel .LBB2_1-.Ltmp0, $4  }
0x12: {  	v8 =	vadd.s32 $0x3, v1;
	v9 =	vadd.s32 $0x4, v1;
	v10 =	vadd.s32 $0x5, v1;
	s9 =	sadd.s32 s2, s9;
	s10 =	sadd.s32 s2, s10;
	s2 =	sadd.s32 s2, s12  }
0x13: {  	v11 =	vadd.s32 $0x93, v1;
	v12 =	vadd.s32 $0x94, v1;
	v13 =	vadd.s32 $0x95, v1;
	[dreg:$0x2] =	wrdreg s9;
	s9 =	sand.u32 $0x1C00, s29;
	s2 =	sadd.s32 s7, s2  }
0x14: {  	v14 =	vadd.s32 $0x6, v1;
	v15 =	vadd.s32 $0x7, v1;
	v16 =	vadd.s32 $0x8, v1;
	s24 =	simm.s32 $0x9200;
	s9 =	sadd.s32 s9, s10;
	[dreg:$0x4] =	wrdreg s2  }
0x15: {  	v17 =	vadd.s32 $0x96, v1;
	v18 =	vadd.s32 $0x97, v1;
	v19 =	vadd.s32 $0x98, v1;
	s12 =	sshll.u32 s8, $0x4;
	s2 =	simm.s32 $0x0;
	[dreg:$0x3] =	wrdreg s9  }
.LBB2_18:
0x16: {  	s2 =	rddreg [dreg:$0x8]  }
0x17: {  	s0 =	rddreg [dreg:$0x7];
	s2 =	sadd.s32 $0x1, s2  }
0x18: {  	p0 =	sne.s32 s2, s0  }
.Ltmp1:
0x19: {  	_ = 	snop;
	(pc) =	sbr.rel @!p0 .LBB2_19-.Ltmp1, $1  }
0x1a: {  	_ =	sdelay $0x3  }
.LBB2_1:
0x1b: {  	[dreg:$0x8] =	wrdreg s2  }
0x1c: {  	s0 =	rddreg [dreg:$0x2]  }
0x1d: {  	[tilespmem:s1], [sflag:$0x1] =	stream.strided.gather [hbm4b:s0+s14], $0x400, s15, s14, $0x38;
	[tilespmem:$0xB100] =	vst v63  }
0x1e: {  	_ =	swait.ge [sflag:s16], $0x400  }
0x1f: {  	[sflag:s16] =	ssyncset.done $0x0  }
0x20: {  	s25 =	rddreg [dreg:$0x3];
	[sflag:s16] =	ssyncadd.s32 $0xFFFFFC00  }
0x21: {  	[tilespmem:s17], [sflag:$0x1] =	stream.strided.gather [hbm4b:s25+s14], $0x400, s15, s14, $0x38;
	[tilespmem:$0xB100] =	vst v63  }
0x22: {  	_ =	swait.ge [sflag:s16], $0x400  }
0x23: {  	[sflag:s16] =	ssyncset.done $0x0  }
0x24: {  	s26 =	rddreg [dreg:$0x4];
	[sflag:s16] =	ssyncadd.s32 $0xFFFFFC00  }
0x25: {  	[tilespmem:s18], [sflag:$0x1] =	stream.strided.gather [hbm4b:s26+s14], $0x400, s15, s14, $0x38;
	[tilespmem:$0xB100] =	vst v63  }
0x26: {  	_ =	swait.ge [sflag:s16], $0x400  }
0x27: {  	[sflag:s16] =	ssyncset.done $0x0  }
0x28: {  	s29 =	simm.s32 $0xA400;
	s28 =	rddreg [dreg:$0x5];
	[sflag:s16] =	ssyncadd.s32 $0xFFFFFC00  }
0x29: {  	[tilespmem:s29], [sflag:$0x1] =	stream.linear.gather [hbm4b:s28+s1], $0x100, $0x38;
	[tilespmem:$0xB100] =	vst v63  }
0x2a: {  	_ =	swait.ge [sflag:s16], $0x100  }
0x2b: {  	s31 =	simm.s32 $0xA580;
	[sflag:s16] =	ssyncset.done $0x0  }
.Ltmp2:
0x2c: {  	s30 =	rddreg [dreg:$0x6];
	[sflag:s16] =	ssyncadd.s32 $0xFFFFFF00;
	(pc) =	sbr.rel .LBB2_2-.Ltmp2, $4  }
0x2d: {  	[tilespmem:s31], [sflag:$0x1] =	stream.linear.gather [hbm4b:s30+s1], $0x100, $0x38;
	[tilespmem:$0xB100] =	vst v63  }
0x2e: {  	_ =	swait.ge [sflag:s16], $0x100  }
0x2f: {  	[sflag:s16] =	ssyncset.done $0x0  }
0x30: {  	s26 =	simm.s32 $0x0;
	[sflag:s16] =	ssyncadd.s32 $0xFFFFFF00  }
.LBB2_17:
0x31: {  	s0 =	smul.u32 $0x9000, s28;
	_ =	sdelay $0x1  }
0x32: {  	s26 =	sadd.s32 $0x1, s26;
	s0 =	sor.u32 s29, s0  }
0x33: {  	p0 =	sne.s32 s26, $0x10;
	s0 =	sshrl.u32 s0, $0x3  }
.Ltmp3:
0x34: {  	s0 =	sadd.s32 s5, s0;
	(pc) =	sbr.rel @!p0 .LBB2_18-.Ltmp3, $4  }
0x35: {  	[hbm4b:s0+s14] =	stream.strided.scatter [tilespmem:s24], [sflag:$0x1], $0x1200, s15, s14, $0x38;
	[tilespmem:$0xB100] =	vst v63  }
0x36: {  	_ =	swait.ge [sflag:s16], $0x1200  }
0x37: {  	[sflag:s16] =	ssyncset.done $0x0  }
0x38: {  	[sflag:s16] =	ssyncadd.s32 $0xFFFFEE00  }
.LBB2_2:
0x39: {  	s0 =	sadd.s32 s12, s26  }
0x3a: {  	s21 =	sshll.u32 s26, $0x7;
	s28 =	sshrl.u32 s0, $0x3  }
0x3b: {  	s29 =	sand.u32 $0x380, s21;
	s25 =	sshll.u32 s28, $0x11  }
0x3c: {  	s0 =	sor.u32 s29, s25  }
0x3d: {  	s0 =	sshrl.u32 s0, $0x3  }
0x3e: {  	s7 =	simm.s32 $0x1200;
	s2 =	sadd.s32 s3, s0  }
0x3f: {  	[tilespmem:s7], [sflag:$0x1] =	stream.strided.gather [hbm4b:s2+s14], $0x4000, s15, s14, $0x38;
	[tilespmem:$0xB100] =	vst v63  }
0x40: {  	_ =	swait.ge [sflag:s16], $0x4000  }
0x41: {  	[sflag:s16] =	ssyncset.done $0x0  }
0x42: {  	s0 =	sadd.s32 s4, s0;
	[sflag:s16] =	ssyncadd.s32 $0xFFFFC000  }
0x43: {  	[tilespmem:s22], [sflag:$0x1] =	stream.strided.gather [hbm4b:s0+s14], $0x4000, s15, s14, $0x38;
	[tilespmem:$0xB100] =	vst v63  }
0x44: {  	s30 =	sshll.u32 s26, $0x4;
	_ =	swait.ge [sflag:s16], $0x4000  }
0x45: {  	s31 =	sor.u32 s6, s30;
	[sflag:s16] =	ssyncset.done $0x0  }
0x46: {  	s2 =	simm.s32 $0x0;
	s0 =	simm.s32 $0x0;
	[sflag:s16] =	ssyncadd.s32 $0xFFFFC000  }
.LBB2_3:
0x47: {  	s7 =	sor.u32 s30, s2  }
0x48: {  	v24 =	vld [tilespmem:s7+$0xA400]  }
0x49: {  	s8 =	sor.u32 s2, s31;
	v23 =	vld [tilespmem:s7+$0xA580]  }
0x4a: {  	v20 =	vld.msk [tilespmem:s8+$0x0 ss:$0x0], $0xffff  }
0x4b: {  	v21 =	vld.msk [tilespmem:s8+$0x480 ss:$0x0], $0xffff  }
0x4c: {  	v22 =	vld.msk [tilespmem:s8+$0x900 ss:$0x0], $0xffff;
	s7 =	simm.s32 $0x20  }
0x4d: {  	s8 =	simm.s32 $0x4A0;
	v25 =	vld [tilespmem:s7+$0xFFFFFFE0]  }
0x4e: {  	s11 =	sshll.u32 s2, $0xC;
	v26 =	vld [tilespmem:s8+$0xFFFFFFE0]  }
0x4f: {  	s9 =	simm.s32 $0x920;
	s19 =	sshrl.u32 s11, $0x2  }
0x50: {  	s10 =	sand.u32 $0x380, s0;
	v27 =	vld [tilespmem:s9+$0xFFFFFFE0];
	s20 =	sadd.s32 $0x5200, s19  }
0x51: {  	s11 =	sand.u32 $0x40, s0;
	s10 =	sadd.s32 s10, s20  }
0x52: {  	s11 =	sadd.s32 s11, s10  }
0x53: {  	v28 =	vld [tilespmem:s11+$0x0];
	v25 =	vsub.f32 v25, v20;
	v26 =	vsub.f32 v26, v21;
	_ =	sdelay $0x1  }
0x54: {  	v27 =	vsub.f32 v27, v22;
	v25 =	vmul.f32 v25, v25;
	v26 =	vmul.f32 v26, v26;
	_ =	sdelay $0x1  }
0x55: {  	v25 =	vadd.f32 v26, v25;
	v26 =	vmul.f32 v27, v27;
	_ =	sdelay $0x1  }
0x56: {  	v25 =	vadd.f32 v26, v25;
	_ =	sdelay $0x1  }
0x57: {  	[tilespmem:v28+s23+$0x0] =	vst.idx.msk $0xffff, v25  }
0x58: {  	v25 =	vld [tilespmem:s8+$0xFFFFFFF0]  }
0x59: {  	v26 =	vld [tilespmem:s7+$0xFFFFFFF0];
	_ =	sdelay $0x1  }
0x5a: {  	s13 =	simm.s32 $0x10;
	v27 =	vld [tilespmem:s9+$0xFFFFFFF0]  }
0x5b: {  	s11 =	sand.u32 $0x50, s13  }
0x5c: {  	s11 =	sadd.s32 s11, s10  }
0x5d: {  	v28 =	vld [tilespmem:s11+$0x0];
	v26 =	vsub.f32 v26, v20;
	v25 =	vsub.f32 v25, v21;
	_ =	sdelay $0x1  }
0x5e: {  	v27 =	vsub.f32 v27, v22;
	v26 =	vmul.f32 v26, v26;
	v25 =	vmul.f32 v25, v25;
	_ =	sdelay $0x1  }
0x5f: {  	v25 =	vadd.f32 v25, v26;
	v26 =	vmul.f32 v27, v27;
	_ =	sdelay $0x1  }
0x60: {  	v25 =	vadd.f32 v26, v25;
	_ =	sdelay $0x1  }
0x61: {  	[tilespmem:v28+s23+$0x0] =	vst.idx.msk $0xffff, v25  }
0x62: {  	v25 =	vld [tilespmem:s7+$0x0]  }
0x63: {  	v26 =	vld [tilespmem:s8+$0x0];
	_ =	sdelay $0x1  }
0x64: {  	s21 =	simm.s32 $0x20;
	v27 =	vld [tilespmem:s9+$0x0]  }
0x65: {  	s11 =	sand.u32 $0x60, s21  }
0x66: {  	s11 =	sadd.s32 s11, s10  }
0x67: {  	v28 =	vld [tilespmem:s11+$0x0];
	v25 =	vsub.f32 v25, v20;
	v26 =	vsub.f32 v26, v21;
	_ =	sdelay $0x1  }
0x68: {  	v27 =	vsub.f32 v27, v22;
	v25 =	vmul.f32 v25, v25;
	v26 =	vmul.f32 v26, v26;
	_ =	sdelay $0x1  }
0x69: {  	v25 =	vadd.f32 v26, v25;
	v26 =	vmul.f32 v27, v27;
	_ =	sdelay $0x1  }
0x6a: {  	v25 =	vadd.f32 v26, v25;
	_ =	sdelay $0x1  }
0x6b: {  	[tilespmem:v28+s23+$0x0] =	vst.idx.msk $0xffff, v25  }
0x6c: {  	v28 =	vld [tilespmem:s7+$0x10]  }
0x6d: {  	v26 =	vld [tilespmem:s8+$0x10]  }
0x6e: {  	s25 =	simm.s32 $0x30;
	v27 =	vld [tilespmem:s9+$0x10]  }
0x6f: {  	s11 =	sand.u32 $0x70, s25  }
0x70: {  	s10 =	sadd.s32 s11, s10;
	s11 =	simm.s32 $0x0  }
0x71: {  	s8 =	simm.s32 $0x0;
	v25 =	vld [tilespmem:s10+$0x0];
	s9 =	simm.s32 $0x4E0;
	s10 =	simm.s32 $0x960;
	v28 =	vsub.f32 v28, v20  }
.LBB2_4:
0x72: {  	s8 =	sadd.s32 $0x4, s8;
	v26 =	vsub.f32 v26, v21;
	s11 =	sadd.s32 $0x40, s11;
	s7 =	sadd.s32 $0x40, s7  }
0x73: {  	p0 =	slt.u32 s8, $0x3C;
	v27 =	vsub.f32 v27, v22;
	v28 =	vmul.f32 v28, v28  }
0x74: {  	v26 =	vmul.f32 v26, v26  }
0x75: {  	v27 =	vmul.f32 v27, v27  }
0x76: {  	v26 =	vadd.f32 v26, v28;
	_ =	sdelay $0x1  }
0x77: {  	v26 =	vadd.f32 v27, v26;
	_ =	sdelay $0x1  }
0x78: {  	[tilespmem:v25+s23+$0x0] =	vst.idx.msk $0xffff, v26  }
0x79: {  	v25 =	vld [tilespmem:s7+$0xFFFFFFE0]  }
0x7a: {  	v26 =	vld [tilespmem:s9+$0xFFFFFFE0];
	_ =	sdelay $0x1  }
0x7b: {  	s13 =	sand.u32 $0x380, s11;
	v27 =	vld [tilespmem:s10+$0xFFFFFFE0]  }
0x7c: {  	s21 =	sand.u32 $0x40, s11;
	s13 =	sadd.s32 s13, s20  }
0x7d: {  	s21 =	sadd.s32 s21, s13;
	v25 =	vsub.f32 v25, v20  }
0x7e: {  	v28 =	vld [tilespmem:s21+$0x0];
	v26 =	vsub.f32 v26, v21;
	_ =	sdelay $0x1  }
0x7f: {  	v25 =	vmul.f32 v25, v25;
	v27 =	vsub.f32 v27, v22;
	v26 =	vmul.f32 v26, v26;
	_ =	sdelay $0x1  }
0x80: {  	v25 =	vadd.f32 v26, v25;
	v26 =	vmul.f32 v27, v27;
	_ =	sdelay $0x1  }
0x81: {  	v25 =	vadd.f32 v26, v25;
	_ =	sdelay $0x1  }
0x82: {  	[tilespmem:v28+s23+$0x0] =	vst.idx.msk $0xffff, v25  }
0x83: {  	v25 =	vld [tilespmem:s9+$0xFFFFFFF0]  }
0x84: {  	v26 =	vld [tilespmem:s7+$0xFFFFFFF0];
	_ =	sdelay $0x1  }
0x85: {  	s21 =	sadd.s32 $0x10, s11;
	v27 =	vld [tilespmem:s10+$0xFFFFFFF0]  }
0x86: {  	s21 =	sand.u32 $0x50, s21  }
0x87: {  	s21 =	sadd.s32 s21, s13  }
0x88: {  	v25 =	vsub.f32 v25, v21;
	v28 =	vld [tilespmem:s21+$0x0];
	v26 =	vsub.f32 v26, v20;
	_ =	sdelay $0x1  }
0x89: {  	v25 =	vmul.f32 v25, v25;
	v27 =	vsub.f32 v27, v22;
	v26 =	vmul.f32 v26, v26;
	_ =	sdelay $0x1  }
0x8a: {  	v25 =	vadd.f32 v25, v26;
	v26 =	vmul.f32 v27, v27;
	_ =	sdelay $0x1  }
0x8b: {  	v25 =	vadd.f32 v26, v25;
	_ =	sdelay $0x1  }
0x8c: {  	[tilespmem:v28+s23+$0x0] =	vst.idx.msk $0xffff, v25  }
0x8d: {  	v25 =	vld [tilespmem:s7+$0x0]  }
0x8e: {  	v26 =	vld [tilespmem:s9+$0x0];
	_ =	sdelay $0x1  }
0x8f: {  	s21 =	sadd.s32 $0x20, s11;
	v27 =	vld [tilespmem:s10+$0x0]  }
0x90: {  	s21 =	sand.u32 $0x60, s21  }
0x91: {  	s21 =	sadd.s32 s21, s13;
	v25 =	vsub.f32 v25, v20  }
0x92: {  	v28 =	vld [tilespmem:s21+$0x0];
	v26 =	vsub.f32 v26, v21  }
0x93: {  	v25 =	vmul.f32 v25, v25  }
0x94: {  	v27 =	vsub.f32 v27, v22;
	v26 =	vmul.f32 v26, v26;
	_ =	sdelay $0x1  }
0x95: {  	v25 =	vadd.f32 v26, v25;
	v26 =	vmul.f32 v27, v27;
	_ =	sdelay $0x1  }
0x96: {  	v25 =	vadd.f32 v26, v25;
	_ =	sdelay $0x1  }
0x97: {  	[tilespmem:v28+s23+$0x0] =	vst.idx.msk $0xffff, v25  }
0x98: {  	s21 =	sadd.s32 $0x30, s11;
	v28 =	vld [tilespmem:s7+$0x10]  }
.Ltmp4:
0x99: {  	s21 =	sand.u32 $0x70, s21;
	v26 =	vld [tilespmem:s9+$0x10];
	(pc) =	sbr.rel @p0 .LBB2_4-.Ltmp4, $3  }
0x9a: {  	s13 =	sadd.s32 s21, s13;
	v27 =	vld [tilespmem:s10+$0x10]  }
0x9b: {  	v25 =	vld [tilespmem:s13+$0x0];
	_ =	sdelay $0x1  }
0x9c: {  	s9 =	sadd.s32 $0x40, s9;
	s10 =	sadd.s32 $0x40, s10;
	v28 =	vsub.f32 v28, v20  }
0x9d: {  	v26 =	vsub.f32 v26, v21;
	_ =	sdelay $0x1  }
0x9e: {  	v27 =	vsub.f32 v27, v22;
	v28 =	vmul.f32 v28, v28;
	v26 =	vmul.f32 v26, v26;
	_ =	sdelay $0x1  }
0x9f: {  	v27 =	vmul.f32 v27, v27;
	v26 =	vadd.f32 v26, v28;
	_ =	sdelay $0x1  }
0xa0: {  	s11 =	simm.s32 $0x0;
	v26 =	vadd.f32 v27, v26  }
0xa1: {  	s7 =	sadd.s32 $0x1200, s19;
	s13 =	sand.u32 $0x380, s11  }
0xa2: {  	s9 =	simm.s32 $0xD90;
	s11 =	sand.u32 $0x60, s11;
	s13 =	sadd.s32 s13, s7;
	[tilespmem:v25+s23+$0x0] =	vst.idx.msk $0xffff, v26  }
0xa3: {  	s11 =	sadd.s32 s11, s13;
	v25 =	vld [tilespmem:s9+$0xFFFFFFF0]  }
0xa4: {  	v26 =	vld [tilespmem:s11+$0x0];
	_ =	sdelay $0x3  }
0xa5: {  	s10 =	simm.s32 $0x0;
	vm0 =	vle.f32 v25, $2.500000300e-01  }
0xa6: {  	[tilespmem:s10+$0xA800] =	vst.msk vm0, v26;
	v26 =	vmpcnt.ones.xlane vm0  }
0xa7: {  	[tilespmem:s10+$0xAC80] =	vst.msk vm0, v25  }
0xa8: {  	v25 =	vld [tilespmem:s9+$0x0];
	(v2sf) =	vpush v26, $0x0;
	_ =	sdelay $0x4  }
0xa9: {  	vm15 =	vle.f32 v25, $2.500000300e-01  }
0xaa: {  	v26 =	vmpcnt.ones.xlane vm15;
	_ =	sdelay $0x1  }
0xab: {  	(v2sf) =	vpush v26, $0x0  }
0xac: {  	s8 =	simm.s32 $0x10  }
0xad: {  	s8 =	sand.u32 $0x70, s8  }
0xae: {  	s8 =	sadd.s32 s8, s13  }
0xaf: {  	v26 =	vld [tilespmem:s8+$0x0];
	_ =	sdelay $0x2  }
0xb0: {  	s13 =	spop (v2sf)  }
0xb1: {  	s20 =	simm.s32 $0x20;
	s13 =	sadd.s32 $0x0, s13  }
0xb2: {  	s21 =	sand.u32 $0x380, s20;
	[tilespmem:s13+$0xA800] =	vst.msk vm15, v26  }
0xb3: {  	s25 =	sand.u32 $0x60, s20;
	s10 =	sadd.s32 s21, s7;
	s9 =	simm.s32 $0xDB0;
	[tilespmem:s13+$0xAC80] =	vst.msk vm15, v25  }
0xb4: {  	s20 =	sadd.s32 s25, s10;
	v25 =	vld [tilespmem:s9+$0xFFFFFFF0]  }
0xb5: {  	v26 =	vld [tilespmem:s20+$0x0];
	_ =	sdelay $0x2  }
0xb6: {  	s11 =	simm.s32 $0x2;
	s8 =	simm.s32 $0x30;
	s20 =	spop (v2sf)  }
.LBB2_6:
0xb7: {  	s11 =	sadd.s32 $0x2, s11;
	vm0 =	vle.f32 v25, $2.500000300e-01;
	s13 =	sadd.s32 s13, s20  }
0xb8: {  	p0 =	slt.u32 s11, $0x3C;
	[tilespmem:s13+$0xA800] =	vst.msk vm0, v26;
	v26 =	vmpcnt.ones.xlane vm0  }
0xb9: {  	[tilespmem:s13+$0xAC80] =	vst.msk vm0, v25  }
0xba: {  	v25 =	vld [tilespmem:s9+$0x0];
	(v2sf) =	vpush v26, $0x0;
	_ =	sdelay $0x4  }
0xbb: {  	vm0 =	vle.f32 v25, $2.500000300e-01  }
0xbc: {  	v26 =	vmpcnt.ones.xlane vm0;
	_ =	sdelay $0x1  }
0xbd: {  	(v2sf) =	vpush v26, $0x0;
	_ =	sdelay $0x1  }
0xbe: {  	s20 =	sand.u32 $0x70, s8  }
0xbf: {  	s10 =	sadd.s32 s20, s10  }
0xc0: {  	v26 =	vld [tilespmem:s10+$0x0];
	_ =	sdelay $0x2  }
0xc1: {  	s8 =	sadd.s32 $0x20, s8;
	s10 =	spop (v2sf)  }
0xc2: {  	s20 =	sadd.s32 $0xFFFFFFF0, s8;
	s13 =	sadd.s32 s13, s10  }
0xc3: {  	s10 =	sand.u32 $0x380, s20;
	[tilespmem:s13+$0xA800] =	vst.msk vm0, v26  }
0xc4: {  	s9 =	sadd.s32 $0x20, s9;
	s20 =	sand.u32 $0x60, s20;
	s10 =	sadd.s32 s10, s7;
	[tilespmem:s13+$0xAC80] =	vst.msk vm0, v25  }
.Ltmp5:
0xc5: {  	s20 =	sadd.s32 s20, s10;
	v25 =	vld [tilespmem:s9+$0xFFFFFFF0];
	(pc) =	sbr.rel @p0 .LBB2_6-.Ltmp5, $2  }
0xc6: {  	v26 =	vld [tilespmem:s20+$0x0];
	_ =	sdelay $0x2  }
0xc7: {  	s20 =	spop (v2sf)  }
0xc8: {  	vm0 =	vle.f32 v25, $2.500000300e-01;
	s7 =	sadd.s32 s13, s20  }
0xc9: {  	[tilespmem:s7+$0xA800] =	vst.msk vm0, v26;
	v58 =	vmpcnt.ones.xlane vm0  }
0xca: {  	[tilespmem:s7+$0xAC80] =	vst.msk vm0, v25  }
0xcb: {  	v25 =	vld [tilespmem:s9+$0x0];
	(v2sf) =	vpush v58, $0x0;
	_ =	sdelay $0x4  }
0xcc: {  	vm13 =	vle.f32 v25, $2.500000300e-01  }
0xcd: {  	v59 =	vmpcnt.ones.xlane vm13;
	_ =	sdelay $0x1  }
0xce: {  	(v2sf) =	vpush v59, $0x0;
	_ =	sdelay $0x1  }
0xcf: {  	s8 =	sand.u32 $0x70, s8  }
0xd0: {  	s8 =	sadd.s32 s8, s10  }
0xd1: {  	v60 =	vld [tilespmem:s8+$0x0];
	_ =	sdelay $0x2  }
0xd2: {  	s25 =	spop (v2sf)  }
0xd3: {  	s7 =	sadd.s32 s7, s25  }
0xd4: {  	[tilespmem:s7+$0xA800] =	vst.msk vm13, v60  }
0xd5: {  	[tilespmem:s7+$0xAC80] =	vst.msk vm13, v25  }
0xd6: {  	v25 =	vld [tilespmem:$0x1160]  }
0xd7: {  	v26 =	vld [tilespmem:s19+$0x15E0];
	_ =	sdelay $0x2  }
0xd8: {  	s9 =	spop (v2sf)  }
0xd9: {  	s7 =	sadd.s32 s7, s9;
	vm14 =	vle.f32 v25, $2.500000300e-01  }
0xda: {  	[tilespmem:s7+$0xA800] =	vst.msk vm14, v26  }
0xdb: {  	[tilespmem:s7+$0xAC80] =	vst.msk vm14, v25  }
0xdc: {  	v25 =	vld [tilespmem:$0x1170];
	_ =	sdelay $0x2  }
0xdd: {  	v24 =	vbroadcast v24, $0x0;
	_ =	sdelay $0x1  }
0xde: {  	vm2 =	vgt.s32 v24, v2;
	vm1 =	vle.f32 v25, $2.500000300e-01  }
0xdf: {  	v61 =	vmpcnt.ones.xlane vm14;
	vm15 =	vmand vm2, vm1  }
0xe0: {  	v62 =	vmpcnt.ones.xlane vm15  }
0xe1: {  	(v2sf) =	vpush v61, $0x0  }
0xe2: {  	(v2sf) =	vpush v62, $0x0;
	_ =	sdelay $0xd  }
0xe3: {  	s10 =	spop (v2sf)  }
0xe4: {  	s7 =	sadd.s32 s7, s10;
	s11 =	spop (v2sf)  }
0xe5: {  	s20 =	sadd.s32 s7, s11  }
0xe6: {  	s8 =	sadd.s32 $0xF, s20  }
0xe7: {  	s13 =	sand.u32 $0xF, s8  }
0xe8: {  	s21 =	sshra.s32 s8, $0x1F;
	p0 =	slt.s32 s8, $0x1;
	p1 =	sne.s32 s13, $0x0  }
0xe9: {  	s25 =	sshrl.u32 s21, $0x1C;
	p0 =	por !p0, !p1  }
0xea: {  	s9 =	simm.s32 $0x1;
	s8 =	sadd.s32 s25, s8;
	p0 =	por !p0, !p0  }
0xeb: {  	s8 =	sshra.s32 s8, $0x4;
	s9 =	simm.s32 @!p0 $0x0  }
0xec: {  	v63 =	vld [tilespmem:s19+$0x15F0];
	s10 =	ssub.s32 s8, s9  }
0xed: {  	p0 =	slt.s32 s10, $0x1  }
.Ltmp6:
0xee: {  	_ = 	snop;
	(pc) =	sbr.rel @p0 .LBB2_14-.Ltmp6, $3  }
0xef: {  	_ =	sdelay $0x1  }
0xf0: {  	[tilespmem:s7+$0xA800] =	vst.msk vm15, v63  }
0xf1: {  	[tilespmem:s7+$0xAC80] =	vst.msk vm15, v25;
	s7 =	simm.s32 $0x0;
	s9 =	simm.s32 $0x0;
	s8 =	simm.s32 $0x0  }
0xf2: {  	s11 =	simm.s32 $0xAC80  }
0xf3: {  	v25 =	vld [tilespmem:s11+$0x0];
	_ =	sdelay $0x2  }
0xf4: {  	s8 =	simm.s32 $0x0  }
0xf5: {  	v24 =	vmov s20;
	p1 =	seq.s32 s10, $0x1;
	v26 =	vor.u32 s8, v0  }
.Ltmp7:
0xf6: {  	vm1 =	vlt.s32 v26, v24;
	vm0 =	vle.f32 v25, $1.000000070e-02;
	(pc) =	sbr.rel @p1 .LBB2_9-.Ltmp7, $4  }
0xf7: {  	vm0 =	vmand vm1, vm0  }
0xf8: {  	vm2 =	vle.f32 v25, $9.000001100e-02;
	v27 =	vmpcnt.ones.xlane vm0  }
0xf9: {  	s9 =	simm.s32 $0xA800;
	vm1 =	vmand vm1, vm2  }
0xfa: {  	p0 =	por $0x0, $0x0;
	s11 =	sadd.s32 $0xFFFFFFFF, s10;
	v25 =	vld [tilespmem:s9+$0x0];
	v26 =	vmpcnt.ones.xlane vm1;
	(v2sf) =	vpush v27, $0x0  }
0xfb: {  	_ =	sdelay $0x1  }
0xfc: {  	p0 =	por $0x1, $0x1;
	s9 =	simm.s32 $0x0;
	(v2sf) =	vpush v26, $0x0  }
0xfd: {  	s9 =	simm.s32 @!p0 $0x20  }
0xfe: {  	[tilespmem:s9+$0xA700] =	vst.msk vm0, v25  }
0xff: {  	[tilespmem:s9+$0xA780] =	vst.msk vm1, v25;
	s9 =	simm.s32 $0xAC90  }
0x100: {  	v25 =	vld [tilespmem:s9+$0x0];
	_ =	sdelay $0x2  }
0x101: {  	s10 =	simm.s32 $0x10  }
0x102: {  	p1 =	seq.s32 s11, $0x1;
	v27 =	vor.u32 s10, v0  }
.Ltmp8:
0x103: {  	vm1 =	vlt.s32 v27, v24;
	vm0 =	vle.f32 v25, $1.000000070e-02;
	(pc) =	sbr.rel @p1 .LBB2_11-.Ltmp8, $4  }
0x104: {  	vm0 =	vmand vm1, vm0  }
0x105: {  	vm2 =	vle.f32 v25, $9.000001100e-02;
	v27 =	vmpcnt.ones.xlane vm0  }
0x106: {  	s19 =	sadd.s32 $0xFFFFFFFF, s11;
	s25 =	simm.s32 $0xA810;
	s11 =	simm.s32 $0x0;
	vm1 =	vmand vm1, vm2  }
0x107: {  	s13 =	simm.s32 $0x0;
	p0 =	por $0x1, $0x1;
	v25 =	vld [tilespmem:s25+$0x0];
	v26 =	vmpcnt.ones.xlane vm1;
	s21 =	spop (v2sf);
	(v2sf) =	vpush v27, $0x0  }
.LBB2_12:
0x108: {  	p1 =	seq.s32 s19, $0x1  }
0x109: {  	(v2sf) =	vpush v26, $0x0;
	s11 =	sadd.s32 s11, s21;
	s21 =	spop (v2sf);
	s19 =	sadd.s32 $0xFFFFFFFF, s19  }
0x10a: {  	p2 =	slt.s32 s11, $0x20;
	s13 =	sadd.s32 s13, s21;
	s21 =	smov.u32 s11  }
0x10b: {  	s21 =	simm.s32 @!p2 $0x20;
	p2 =	slt.s32 s13, $0x20  }
0x10c: {  	[tilespmem:s21+$0xA700] =	vst.msk vm0, v25;
	s21 =	smov.u32 s13  }
0x10d: {  	s21 =	simm.s32 @!p2 $0x20  }
0x10e: {  	s9 =	sadd.s32 $0x10, s9;
	[tilespmem:s21+$0xA780] =	vst.msk vm1, v25  }
0x10f: {  	v25 =	vld [tilespmem:s9+$0x0];
	_ =	sdelay $0x2  }
0x110: {  	s10 =	sadd.s32 $0x10, s10  }
0x111: {  	v26 =	vor.u32 s10, v0  }
.Ltmp9:
0x112: {  	vm1 =	vlt.s32 v26, v24;
	vm0 =	vle.f32 v25, $1.000000070e-02;
	vm2 =	vle.f32 v25, $9.000001100e-02;
	(pc) =	sbr.rel @!p1 .LBB2_12-.Ltmp9, $4  }
0x113: {  	vm0 =	vmand vm1, vm0;
	vm1 =	vmand vm1, vm2  }
0x114: {  	s25 =	sadd.s32 $0x10, s25;
	v27 =	vmpcnt.ones.xlane vm0;
	v26 =	vmpcnt.ones.xlane vm1  }
0x115: {  	v25 =	vld [tilespmem:s25+$0x0]  }
0x116: {  	(v2sf) =	vpush v27, $0x0;
	s21 =	spop (v2sf)  }
.LBB2_13:
0x117: {  	(v2sf) =	vpush v26, $0x0;
	_ =	sdelay $0x9  }
0x118: {  	s9 =	sadd.s32 @p0 s11, s21;
	s11 =	simm.s32 $0x0  }
0x119: {  	s10 =	spop @p0 (v2sf);
	s11 =	smov.u32 @p0 s9  }
0x11a: {  	s9 =	sadd.s32 @p0 s13, s10;
	p1 =	slt.s32 s11, $0x20;
	s10 =	smov.u32 s11  }
0x11b: {  	s8 =	smov.u32 @p0 s9;
	s10 =	simm.s32 @!p1 $0x20  }
0x11c: {  	p0 =	slt.s32 s8, $0x20;
	s9 =	smov.u32 s8;
	s21 =	spop (v2sf)  }
0x11d: {  	[tilespmem:s10+$0xA700] =	vst.msk vm0, v25;
	s9 =	simm.s32 @!p0 $0x20;
	s25 =	spop (v2sf)  }
0x11e: {  	[tilespmem:s9+$0xA780] =	vst.msk vm1, v25;
	s9 =	sadd.s32 s11, s21;
	s8 =	sadd.s32 s8, s25  }
.LBB2_14:
0x11f: {  	v23 =	vbroadcast v23, $0x0;
	p0 =	por $0x1, $0x1  }
.LBB2_15:
0x120: {  	v24 =	vld [tilespmem:s7+$0x0]  }
0x121: {  	v25 =	vld [tilespmem:s7+$0x480];
	_ =	sdelay $0x1  }
0x122: {  	v26 =	vld [tilespmem:s7+$0x900];
	_ =	sdelay $0x2  }
0x123: {  	v24 =	vsub.f32 v24, v20;
	v25 =	vsub.f32 v25, v21;
	_ =	sdelay $0x1  }
0x124: {  	v26 =	vsub.f32 v26, v22;
	v24 =	vmul.f32 v24, v24;
	v25 =	vmul.f32 v25, v25;
	_ =	sdelay $0x1  }
0x125: {  	v53 =	vmul.f32 v26, v26;
	v24 =	vadd.f32 v25, v24;
	_ =	sdelay $0x1  }
0x126: {  	v24 =	vadd.f32 v53, v24  }
0x127: {  	v54 =	vor.u32 s7, v0  }
0x128: {  	p1 =	slt.s32 s9, $0x20;
	s10 =	smov.u32 s9;
	vm0 =	veq.s32 v54, v23;
	vm1 =	vgt.f32 v24, $1.000000070e-02  }
0x129: {  	s11 =	smov.u32 s8;
	s10 =	simm.s32 @!p1 $0x20;
	p1 =	slt.s32 s8, $0x20;
	vm2 =	vgt.f32 v24, $9.000001100e-02;
	vm1 =	vmor vm0, vm1  }
0x12a: {  	s11 =	simm.s32 @!p1 $0x20;
	p1 =	slt.s32 s20, $0x20;
	vm3 =	vgt.f32 v24, $2.500000300e-01;
	vm2 =	vmor vm0, vm2;
	[tilespmem:s10+$0xA700] =	vst.msk vm1, v54;
	s10 =	smov.u32 s20  }
0x12b: {  	vm0 =	vmor vm0, vm3;
	[tilespmem:s11+$0xA780] =	vst.msk vm2, v54;
	s10 =	simm.s32 @!p1 $0x20  }
0x12c: {  	s13 =	sor.u32 $0x10, s7;
	[tilespmem:s10+$0xA800] =	vst.msk vm0, v54  }
0x12d: {  	v55 =	vld [tilespmem:s13+$0x0]  }
0x12e: {  	v25 =	vld [tilespmem:s7+$0x490];
	_ =	sdelay $0x1  }
0x12f: {  	v56 =	vld [tilespmem:s7+$0x910];
	_ =	sdelay $0x2  }
0x130: {  	v24 =	vsub.f32 v55, v20;
	v25 =	vsub.f32 v25, v21;
	_ =	sdelay $0x1  }
0x131: {  	v26 =	vsub.f32 v56, v22;
	v24 =	vmul.f32 v24, v24;
	v25 =	vmul.f32 v25, v25;
	_ =	sdelay $0x1  }
0x132: {  	v57 =	vmul.f32 v26, v26;
	v24 =	vadd.f32 v25, v24  }
0x133: {  	v58 =	vmpcnt.ones.xlane vm1  }
0x134: {  	v60 =	vmpcnt.ones.xlane vm2;
	v24 =	vadd.f32 v57, v24  }
0x135: {  	v59 =	vor.u32 s13, v0;
	v27 =	vmpcnt.ones.xlane vm0;
	(v2sf) =	vpush v58, $0x0  }
0x136: {  	vm11 =	veq.s32 v59, v23;
	(v2sf) =	vpush v60, $0x0;
	vm12 =	vgt.f32 v24, $1.000000070e-02  }
0x137: {  	(v2sf) =	vpush v27, $0x0;
	vm14 =	vgt.f32 v24, $9.000001100e-02;
	vm13 =	vmor vm11, vm12  }
0x138: {  	vm15 =	vgt.f32 v24, $2.500000300e-01;
	vm2 =	vmor vm11, vm14;
	v61 =	vmpcnt.ones.xlane vm13  }
0x139: {  	vm1 =	vmor vm11, vm15;
	v62 =	vmpcnt.ones.xlane vm2  }
0x13a: {  	v63 =	vmpcnt.ones.xlane vm1;
	(v2sf) =	vpush v61, $0x0  }
0x13b: {  	(v2sf) =	vpush v62, $0x0  }
0x13c: {  	(v2sf) =	vpush v63, $0x0;
	_ =	sdelay $0x7  }
0x13d: {  	s19 =	spop (v2sf)  }
0x13e: {  	p2 =	por p0, p0;
	s21 =	spop (v2sf);
	s7 =	sadd.s32 s9, s19  }
0x13f: {  	s25 =	spop (v2sf);
	p1 =	slt.s32 s7, $0x20;
	s9 =	smov.u32 s7  }
0x140: {  	s10 =	sadd.s32 s8, s21;
	s21 =	sadd.s32 s20, s25;
	s9 =	simm.s32 @!p1 $0x20  }
.Ltmp10:
0x141: {  	p1 =	slt.s32 s10, $0x20;
	s11 =	smov.u32 s10;
	(pc) =	sbr.rel @p2 .LBB2_15-.Ltmp10, $4  }
0x142: {  	s11 =	simm.s32 @!p1 $0x20;
	p1 =	slt.s32 s21, $0x20;
	s13 =	spop (v2sf)  }
0x143: {  	[tilespmem:s9+$0xA700] =	vst.msk vm13, v59;
	s19 =	spop (v2sf);
	s9 =	sadd.s32 s7, s13;
	s7 =	smov.u32 s21  }
0x144: {  	p0 =	por $0x0, $0x0;
	[tilespmem:s11+$0xA780] =	vst.msk vm2, v59;
	s7 =	simm.s32 @!p1 $0x20;
	s25 =	spop (v2sf)  }
0x145: {  	s8 =	sadd.s32 s10, s19;
	[tilespmem:s7+$0xA800] =	vst.msk vm1, v59;
	s20 =	sadd.s32 s21, s25;
	s7 =	simm.s32 $0x20  }
0x146: {  	v20 =	vld [tilespmem:$0xA700];
	_ =	sdelay $0x5  }
0x147: {  	s7 =	smul.u32 $0x120, s2;
	_ =	sdelay $0x1  }
0x148: {  	v21 =	vadd.s32 s7, v1;
	v22 =	vld.idx.msk [tilespmem:v20+s1+$0x0], $0xffff;
	_ =	sdelay $0x4  }
0x149: {  	[tilespmem:v21+s24+$0x0] =	vst.idx.msk $0xffff, v22  }
0x14a: {  	v47 =	vadd.s32 s7, v3;
	v21 =	vld.idx.msk [tilespmem:v20+s17+$0x0], $0xffff;
	_ =	sdelay $0x4  }
0x14b: {  	[tilespmem:v47+s24+$0x0] =	vst.idx.msk $0xffff, v21  }
0x14c: {  	v48 =	vadd.s32 s7, v4;
	v20 =	vld.idx.msk [tilespmem:v20+s18+$0x0], $0xffff;
	_ =	sdelay $0x4  }
0x14d: {  	[tilespmem:v48+s24+$0x0] =	vst.idx.msk $0xffff, v20  }
0x14e: {  	v20 =	vld [tilespmem:$0xA710];
	_ =	sdelay $0x7  }
0x14f: {  	v49 =	vadd.s32 s7, v5;
	v22 =	vld.idx.msk [tilespmem:v20+s1+$0x0], $0xffff;
	_ =	sdelay $0x4  }
0x150: {  	[tilespmem:v49+s24+$0x0] =	vst.idx.msk $0xffff, v22  }
0x151: {  	v50 =	vadd.s32 s7, v6;
	v21 =	vld.idx.msk [tilespmem:v20+s17+$0x0], $0xffff;
	_ =	sdelay $0x4  }
0x152: {  	[tilespmem:v50+s24+$0x0] =	vst.idx.msk $0xffff, v21  }
0x153: {  	v51 =	vadd.s32 s7, v7;
	v20 =	vld.idx.msk [tilespmem:v20+s18+$0x0], $0xffff;
	_ =	sdelay $0x4  }
0x154: {  	[tilespmem:v51+s24+$0x0] =	vst.idx.msk $0xffff, v20  }
0x155: {  	v20 =	vld [tilespmem:$0xA780];
	_ =	sdelay $0x7  }
0x156: {  	v52 =	vadd.s32 s7, v8;
	v22 =	vld.idx.msk [tilespmem:v20+s1+$0x0], $0xffff;
	_ =	sdelay $0x4  }
0x157: {  	[tilespmem:v52+s24+$0x0] =	vst.idx.msk $0xffff, v22  }
0x158: {  	v53 =	vadd.s32 s7, v9;
	v21 =	vld.idx.msk [tilespmem:v20+s17+$0x0], $0xffff;
	_ =	sdelay $0x4  }
0x159: {  	[tilespmem:v53+s24+$0x0] =	vst.idx.msk $0xffff, v21  }
0x15a: {  	v54 =	vadd.s32 s7, v10;
	v20 =	vld.idx.msk [tilespmem:v20+s18+$0x0], $0xffff;
	_ =	sdelay $0x4  }
0x15b: {  	[tilespmem:v54+s24+$0x0] =	vst.idx.msk $0xffff, v20  }
0x15c: {  	v20 =	vld [tilespmem:$0xA790];
	_ =	sdelay $0x7  }
0x15d: {  	v55 =	vadd.s32 s7, v11;
	v22 =	vld.idx.msk [tilespmem:v20+s1+$0x0], $0xffff;
	_ =	sdelay $0x4  }
0x15e: {  	[tilespmem:v55+s24+$0x0] =	vst.idx.msk $0xffff, v22  }
0x15f: {  	v56 =	vadd.s32 s7, v12;
	v21 =	vld.idx.msk [tilespmem:v20+s17+$0x0], $0xffff;
	_ =	sdelay $0x4  }
0x160: {  	[tilespmem:v56+s24+$0x0] =	vst.idx.msk $0xffff, v21  }
0x161: {  	v57 =	vadd.s32 s7, v13;
	v20 =	vld.idx.msk [tilespmem:v20+s18+$0x0], $0xffff;
	_ =	sdelay $0x4  }
0x162: {  	[tilespmem:v57+s24+$0x0] =	vst.idx.msk $0xffff, v20  }
0x163: {  	v20 =	vld [tilespmem:$0xA800];
	_ =	sdelay $0x7  }
0x164: {  	v58 =	vadd.s32 s7, v14;
	v22 =	vld.idx.msk [tilespmem:v20+s1+$0x0], $0xffff;
	_ =	sdelay $0x4  }
0x165: {  	[tilespmem:v58+s24+$0x0] =	vst.idx.msk $0xffff, v22  }
0x166: {  	v59 =	vadd.s32 s7, v15;
	v21 =	vld.idx.msk [tilespmem:v20+s17+$0x0], $0xffff;
	_ =	sdelay $0x4  }
0x167: {  	[tilespmem:v59+s24+$0x0] =	vst.idx.msk $0xffff, v21  }
0x168: {  	v60 =	vadd.s32 s7, v16;
	v20 =	vld.idx.msk [tilespmem:v20+s18+$0x0], $0xffff;
	_ =	sdelay $0x4  }
0x169: {  	[tilespmem:v60+s24+$0x0] =	vst.idx.msk $0xffff, v20  }
0x16a: {  	v20 =	vld [tilespmem:$0xA810];
	_ =	sdelay $0x7  }
0x16b: {  	v61 =	vadd.s32 s7, v17;
	v22 =	vld.idx.msk [tilespmem:v20+s1+$0x0], $0xffff;
	_ =	sdelay $0x4  }
0x16c: {  	[tilespmem:v61+s24+$0x0] =	vst.idx.msk $0xffff, v22  }
0x16d: {  	v62 =	vadd.s32 s7, v18;
	v21 =	vld.idx.msk [tilespmem:v20+s17+$0x0], $0xffff;
	_ =	sdelay $0x4  }
0x16e: {  	s2 =	sadd.s32 $0x1, s2;
	[tilespmem:v62+s24+$0x0] =	vst.idx.msk $0xffff, v21  }
0x16f: {  	p0 =	sne.s32 s2, $0x10;
	v63 =	vadd.s32 s7, v19;
	v20 =	vld.idx.msk [tilespmem:v20+s18+$0x0], $0xffff  }
.Ltmp11:
0x170: {  	_ = 	snop;
	(pc) =	sbr.rel @p0 .LBB2_3-.Ltmp11, $4  }
.Ltmp12:
0x171: {  	_ = 	snop;
	(pc) =	sbr.rel @!p0 .LBB2_17-.Ltmp12, $4  }
0x172: {  	_ = 	snop  }
0x173: {  	_ = 	snop  }
0x174: {  	[tilespmem:v63+s24+$0x0] =	vst.idx.msk $0xffff, v20  }
0x175: {  	_ = 	snop  }
.LBB2_9:
.Ltmp13:
0x176: {  	(pc) =	sbr.rel .LBB2_13-.Ltmp13, $2  }
0x177: {  	_ =	sdelay $0x2  }
0x178: {  	s11 =	simm.s32 $0x0;
	s13 =	simm.s32 $0x0  }
.LBB2_11:
.Ltmp14:
0x179: {  	(pc) =	sbr.rel .LBB2_13-.Ltmp14, $2  }
0x17a: {  	_ =	sdelay $0x2  }
0x17b: {  	s11 =	simm.s32 $0x0;
	s13 =	simm.s32 $0x0  }
.LBB2_19:
0x17c: {  	_ =	sfence.sel $0x180000  }
0x17d: {  	[bflag:$0x0] =	sbarrier.arrive $0xFFFF  }
0x17e: {  	_ =	strace $0x90000047  }
0x17f: {  	s0 =	stileid.u32;
	[bflag:$0x2] =	sbarrier.arrive $0xFFFF  }
0x180: {  	p0 =	sne.s32 s0, $0x0;
	s0 =	rddreg [dreg:$0x1]  }
0x181: {  	s0 =	sadd.s32 @!p0 $0x100000, s0  }
0x182: {  	[sflag:s0] =	ssyncadd.tile.s32 @!p0 $0x1;
	_ =	shalt  }
.Lfunc_end2:
_tile_overlayer_lowered:
.L_overlay_start_2:
0x183: {  	(tag) =	ssettag $0x2  }
0x184: {  	s0 =	rddreg [dreg:$0x0];
	s2 =	stileid.u32  }
0x185: {  	s1 =	rddreg [dreg:$0x1];
	p0 =	sne.s32 s2, $0x0  }
0x186: {  	s3 =	rddreg [dreg:$0x2];
	[bflag:$0x3] =	sbarrier.arrive $0xFFFF;
	s2 =	simm.s32 @!p0 $0x1C01  }
0x187: {  	[timem:s3], [sflag:s2] =	dma.local @!p0 [hbm:s0], s1  }
0x188: {  	s0 =	simm.s32 @!p0 $0x1  }
0x189: {  	_ =	swait.ge @!p0 [sflag:s0], s1  }
0x18a: {  	s1 =	ssub.s32 @!p0 $0x0, s1;
	[sflag:s0] =	ssyncset.done @!p0 $0x0  }
0x18b: {  	[sflag:s0] =	ssyncadd.s32 @!p0 s1  }
0x18c: {  	[bflag:$0x3] =	sbarrier.arrive $0xFFFF  }
0x18d: {  	_ =	shalt  }

</sc_bundles>
